<compile_context>
chip_gen: v7x
topology: tpu7x:2x2x1
jax: 0.10.2.dev20260603
libtpu: 0.0.44.dev20260713+nightly
codegen_flags: <defaults>
</compile_context>

<pallas_src>
import jax
import jax.numpy as jnp
from jax.experimental import pallas as pl
from jax.experimental.pallas import tpu as pltpu
from jax.experimental.pallas import tpu_sc as plsc



def _ab_kernel(q_ref, k_ref, se_ref, de_ref, sc_ref, dc_ref, acc, *,
               inv_h, scale, kvh, t_cmp, k_sel, t_m, out_len, chunk):
    bi = pl.program_id(0)
    g = pl.program_id(1)
    q = q_ref[0]
    groups, w_len, d = q.shape
    q2 = q.reshape(groups * w_len, d)
    k = k_ref[0, 0]
    s = jax.lax.dot_general(q2, k, (((1,), (1,)), ((), ())),
                            preferred_element_type=jnp.float32) * scale
    e = jnp.exp(s)
    rs = jnp.sum(e, axis=-1, keepdims=True)
    r = (1.0 / rs) * inv_h
    col = jnp.sum(e * r, axis=0, keepdims=True)

    @pl.when(g == 0)
    def _():
        acc[...] = col

    @pl.when(g > 0)
    def _():
        acc[...] += col

    @pl.when(g == kvh - 1)
    def _():
        _route_body(acc[...], se_ref, de_ref, sc_ref, dc_ref, bi,
                    t_cmp, k_sel, t_m, out_len, chunk)


def _route_body(imp_row, se_ref, de_ref, sc_ref, dc_ref, bi,
                t_cmp, k_sel, t_m, out_len, chunk):
    imp_col = imp_row.reshape(t_cmp, 1)
    row_t = jax.lax.broadcasted_iota(jnp.int32, (t_cmp, chunk), 0)

    cnt_parts = []
    for c0 in range(0, t_cmp, chunk):
        v = imp_row[:, c0:c0 + chunk]
        col_t = jax.lax.broadcasted_iota(jnp.int32, (t_cmp, chunk), 1) + c0
        beats = (imp_col > v) | ((imp_col == v) & (row_t < col_t))
        cnt_parts.append(jnp.sum(beats.astype(jnp.int32), axis=0,
                                 keepdims=True))
    cnt = jnp.concatenate(cnt_parts, axis=1)

    cnt_col = cnt.reshape(t_cmp, 1)
    mask_c = cnt_col < k_sel
    mask_col = mask_c.astype(jnp.int32)
    csel_parts = []
    for c0 in range(0, t_cmp, chunk):
        col_t = jax.lax.broadcasted_iota(jnp.int32, (t_cmp, chunk), 1) + c0
        contrib = mask_col * (row_t < col_t).astype(jnp.int32)
        csel_parts.append(jnp.sum(contrib, axis=0, keepdims=True))
    csel = jnp.concatenate(csel_parts, axis=1)

    csel_c = csel.reshape(t_cmp, 1)
    tid_c = jax.lax.broadcasted_iota(jnp.int32, (t_cmp, 1), 0)
    rank_u_c = tid_c - csel_c
    j_row = jax.lax.broadcasted_iota(jnp.int32, (t_cmp, k_sel), 1)
    sel_hit = (mask_c & (csel_c == j_row)).astype(jnp.int32)
    uns_hit = ((~mask_c) & (rank_u_c == j_row)).astype(jnp.int32)
    sel_pos = jnp.sum(tid_c * sel_hit, axis=0, keepdims=True)
    uns_pos = jnp.sum(tid_c * uns_hit, axis=0, keepdims=True)
    j_flat = jax.lax.broadcasted_iota(jnp.int32, (1, k_sel), 1)

    se_ref[0] = 2 * sel_pos + bi * t_m
    de_ref[0] = sel_pos + j_flat + bi * out_len
    sc_ref[0] = uns_pos + bi * t_cmp
    dc_ref[0] = 2 * uns_pos - j_flat + bi * out_len


def _importance_routing(q_w, km_cmp, t_m, out_len):
    b, h, w_len, d = q_w.shape
    kvh = km_cmp.shape[1]
    t_cmp = km_cmp.shape[2]
    groups = h // kvh
    k_sel = out_len - t_cmp
    import functools
    kern = functools.partial(_ab_kernel, inv_h=1.0 / h, scale=d ** -0.5,
                             kvh=kvh, t_cmp=t_cmp, k_sel=k_sel, t_m=t_m,
                             out_len=out_len, chunk=512)
    out = jax.ShapeDtypeStruct((b, 1, k_sel), jnp.int32)
    return pl.pallas_call(
        kern,
        grid=(b, kvh),
        in_specs=[
            pl.BlockSpec((1, groups, w_len, d), lambda i, j: (i, j, 0, 0)),
            pl.BlockSpec((1, 1, t_cmp, d), lambda i, j: (i, j, 0, 0)),
        ],
        out_specs=[pl.BlockSpec((1, 1, k_sel), lambda i, j: (i, 0, 0))] * 4,
        out_shape=[out] * 4,
        scratch_shapes=[pltpu.VMEM((1, t_cmp), jnp.float32)],
    )(q_w, km_cmp)



def _interleave_sc(xm_flat, cmp_flat, src_xm, dst_xm, src_cmp, dst_cmp,
                   out_rows, c_dim, win):
    n_xm = src_xm.shape[1]
    n_cmp = src_cmp.shape[1]
    mesh = plsc.VectorSubcoreMesh(core_axis_name="c", subcore_axis_name="s")
    n_units = getattr(mesh, "num_cores", 2) * getattr(mesh, "num_subcores", 16)
    n_sub = getattr(mesh, "num_subcores", 16)

    @pl.kernel(out_type=jax.ShapeDtypeStruct((out_rows, c_dim), jnp.float32),
               mesh=mesh,
               scratch_types=[pltpu.VMEM((1, n_xm), jnp.int32),
                              pltpu.VMEM((1, n_xm), jnp.int32),
                              pltpu.VMEM((1, n_cmp), jnp.int32),
                              pltpu.VMEM((1, n_cmp), jnp.int32),
                              pltpu.VMEM((win, c_dim), jnp.float32),
                              pltpu.VMEM((win, c_dim), jnp.float32),
                              pltpu.SemaphoreType.DMA,
                              pltpu.SemaphoreType.DMA])
    def sc_kernel(xm_hbm, cmp_hbm, sxm_hbm, dxm_hbm, scm_hbm, dcm_hbm,
                  o_hbm, sxm_v, dxm_v, scm_v, dcm_v, buf_a, buf_b,
                  sem_a, sem_b):
        cid = jax.lax.axis_index("c")
        sid = jax.lax.axis_index("s")
        unit = cid * n_sub + sid
        pltpu.sync_copy(sxm_hbm, sxm_v)
        pltpu.sync_copy(dxm_hbm, dxm_v)
        pltpu.sync_copy(scm_hbm, scm_v)
        pltpu.sync_copy(dcm_hbm, dcm_v)

        bufs = (buf_a, buf_b)
        sems = (sem_a, sem_b)

        def run_stream(src_hbm, si_v, di_v, n_total):
            per = n_total // n_units
            nw = per // win

            def gather(w):
                base = unit * per + w * win
                return pltpu.async_copy(
                    src_hbm.at[si_v.at[0, pl.ds(base, win)]],
                    bufs[w % 2], sems[w % 2])

            handle = gather(0)
            for w in range(nw):
                handle.wait()
                if w + 1 < nw:
                    handle = gather(w + 1)
                base = unit * per + w * win
                pltpu.sync_copy(bufs[w % 2],
                                o_hbm.at[di_v.at[0, pl.ds(base, win)]])

        run_stream(xm_hbm, sxm_v, dxm_v, n_xm)
        run_stream(cmp_hbm, scm_v, dcm_v, n_cmp)

    return sc_kernel(xm_flat, cmp_flat, src_xm, dst_xm, src_cmp, dst_cmp)



def kernel(x_m, xm_cmp, q_w, km_cmp):
    b, t_m, c_dim = x_m.shape
    t_cmp = xm_cmp.shape[1]
    k_sel = t_cmp // 2
    out_len = t_cmp + k_sel

    src_even, dst_even, src_cmp, dst_cmp = _importance_routing(
        q_w, km_cmp, t_m, out_len)

    src_xm = jnp.concatenate([src_even, src_even + 1], axis=1).reshape(1, -1)
    dst_xm = jnp.concatenate([dst_even, dst_even + 1], axis=1).reshape(1, -1)
    src_cmp = src_cmp.reshape(1, -1)
    dst_cmp = dst_cmp.reshape(1, -1)

    y = _interleave_sc(x_m.reshape(b * t_m, c_dim),
                       xm_cmp.reshape(b * t_cmp, c_dim),
                       src_xm, dst_xm, src_cmp, dst_cmp,
                       b * out_len, c_dim, win=16)
    return y.reshape(b, out_len, c_dim)

# --- scband reference (transcript-rebuilt; emitter-appended) ---
"""Pipeline reference for scband-compressed-attention-35785667510438 (READ-ONLY COPY).

The authoritative reference and input builder live on the scoring server;
editing this copy changes nothing except your own understanding.
"""

import jax, jax.numpy as jnp
import numpy as np

B = 2
T_M = 4096
T_CMP = 2048
C = 2048
H = 16
KVH = 8
W = 512
D_H = 128
R = 0.5
M_PARAM = 0


def setup_inputs(seed: int = 0) -> dict:
    key = jax.random.key(seed)
    k1, k2, k3, k4 = jax.random.split(key, 4)
    x_m = jax.random.normal(k1, (B, T_M, C), dtype=jnp.float32)
    xm_cmp = jax.random.normal(k2, (B, T_CMP, C), dtype=jnp.float32)
    q_w = jax.random.normal(k3, (B, H, W, D_H), dtype=jnp.float32)
    km_cmp = jax.random.normal(k4, (B, KVH, T_CMP, D_H), dtype=jnp.float32)
    return {"x_m": x_m, "xm_cmp": xm_cmp, "q_w": q_w, "km_cmp": km_cmp}


def _importance_score(q_w, km_cmp):
    # replicate kv heads to match query heads (GQA), same layout as
    # unsqueeze(2).expand(...).reshape in torch -> consecutive repeat per kv head
    groups = H // KVH
    km = jnp.repeat(km_cmp, groups, axis=1)  # [B, H, T_cmp, D_H]
    scaling = D_H ** (-0.5)
    scores = jnp.einsum('bhqd,bhkd->bhqk', q_w, km) * scaling
    weights = jax.nn.softmax(scores, axis=-1)
    cumulative = weights.sum(axis=2)      # sum over query positions -> [B, H, T_cmp]
    importance = cumulative.mean(axis=1)  # mean over heads -> [B, T_cmp]
    return importance


def _select_indices(importance, r, M):
    T_m = importance.shape[1]
    num_to_select = int(r * T_m + M * (1 - r) / 2)
    num_to_select = min(num_to_select, T_m)
    _, sel = jax.lax.top_k(importance, num_to_select)
    return sel


def _interleave_selected(x_m, xm_cmp, sel):
    Bb, Tc, Cc = xm_cmp.shape
    num_sel = sel.shape[1]
    out_len = Tc + num_sel
    batch_idx = jnp.arange(Bb)[:, None]
    expand_mask = jnp.zeros((Bb, Tc), dtype=bool).at[batch_idx, sel].set(True)
    pos_sizes = jnp.where(expand_mask, 2, 1)
    cum = jnp.cumsum(pos_sizes, axis=1)
    start = cum - pos_sizes
    b_idx = jnp.broadcast_to(jnp.arange(Bb)[:, None], (Bb, Tc))
    t_idx = jnp.broadcast_to(jnp.arange(Tc)[None, :], (Bb, Tc))
    # first slot: kept token keeps xm_cmp, expanded token gets pair start x_m[2t]
    first_val = jnp.where(expand_mask[..., None], x_m[b_idx, 2 * t_idx], xm_cmp)
    y = jnp.zeros((Bb, out_len, Cc), dtype=xm_cmp.dtype)
    y = y.at[b_idx, start].set(first_val)
    # second slot only for expanded tokens: x_m[2t+1] at start+1; others dropped OOB
    second_pos = jnp.where(expand_mask, start + 1, out_len)
    y = y.at[b_idx, second_pos].set(x_m[b_idx, 2 * t_idx + 1], mode='drop')
    return y


def reference(x_m, xm_cmp, q_w, km_cmp):
    importance = _importance_score(q_w, km_cmp)
    sel = _select_indices(importance, R, M_PARAM)
    y = _interleave_selected(x_m, xm_cmp, sel)
    return y.astype(x_m.dtype)

if __name__ == "__main__":
    import jax
    _d = setup_inputs()
    print(jax.jit(kernel)(*tuple(_d.values())))

</pallas_src>

<mosaic_0001>
#map = affine_map<(d0, d1) -> (0, 0)>
module attributes {stable_mosaic.version = 14 : i64} {
  func.func @sc_kernel(%arg0: i32, %arg1: i32, %arg2: memref<8192x2048xf32, #tpu.memory_space<hbm>>, %arg3: memref<4096x2048xf32, #tpu.memory_space<hbm>>, %arg4: memref<1x4096xi32, #tpu.memory_space<hbm>>, %arg5: memref<1x4096xi32, #tpu.memory_space<hbm>>, %arg6: memref<1x2048xi32, #tpu.memory_space<hbm>>, %arg7: memref<1x2048xi32, #tpu.memory_space<hbm>>, %arg8: memref<6144x2048xf32, #tpu.memory_space<hbm>>, %arg9: memref<1x4096xi32, #tpu.memory_space<vmem>>, %arg10: memref<1x4096xi32, #tpu.memory_space<vmem>>, %arg11: memref<1x2048xi32, #tpu.memory_space<vmem>>, %arg12: memref<1x2048xi32, #tpu.memory_space<vmem>>, %arg13: memref<16x2048xf32, #tpu.memory_space<vmem>>, %arg14: memref<16x2048xf32, #tpu.memory_space<vmem>>, %arg15: memref<!tpu.dma_semaphore, #tpu.memory_space<semaphore_mem>>, %arg16: memref<!tpu.dma_semaphore, #tpu.memory_space<semaphore_mem>>) attributes {dimension_semantics = [#tpu.dimension_semantics<core_parallel>, #tpu.dimension_semantics<subcore_parallel>], iteration_bounds = array<i64: 2, 16>, scalar_prefetch = 0 : i64, scratch_operands = 8 : i64, tpu.core_type = #tpu.core_type<sc_vector_subcore>, window_params = [{transform_indices = #map}, {transform_indices = #map}, {transform_indices = #map}, {transform_indices = #map}, {transform_indices = #map}, {transform_indices = #map}, {transform_indices = #map}]} {
    %mul3A = arith.constant 16 : i32
    %mul3A_0 = arith.muli %arg0, %mul3A : i32
    %add3A = arith.addi %mul3A_0, %arg1 : i32
    "tpu.region"() ({
      %run_scoped3A_250 = tpu.sem_alloc : memref<!tpu.dma_semaphore, #tpu.memory_space<semaphore_mem>>
      tpu.enqueue_dma source(%arg4 : memref<1x4096xi32, #tpu.memory_space<hbm>>) target(%arg9 : memref<1x4096xi32, #tpu.memory_space<vmem>>) target_semaphore(%run_scoped3A_250 : memref<!tpu.dma_semaphore, #tpu.memory_space<semaphore_mem>>)
      tpu.wait_dma2 semaphore(%run_scoped3A_250 : memref<!tpu.dma_semaphore, #tpu.memory_space<semaphore_mem>>) src(%arg4 : memref<1x4096xi32, #tpu.memory_space<hbm>>) dst(%arg9 : memref<1x4096xi32, #tpu.memory_space<vmem>>)
      tpu.yield
    }) : () -> ()
    "tpu.region"() ({
      %run_scoped3A_250 = tpu.sem_alloc : memref<!tpu.dma_semaphore, #tpu.memory_space<semaphore_mem>>
      tpu.enqueue_dma source(%arg5 : memref<1x4096xi32, #tpu.memory_space<hbm>>) target(%arg10 : memref<1x4096xi32, #tpu.memory_space<vmem>>) target_semaphore(%run_scoped3A_250 : memref<!tpu.dma_semaphore, #tpu.memory_space<semaphore_mem>>)
      tpu.wait_dma2 semaphore(%run_scoped3A_250 : memref<!tpu.dma_semaphore, #tpu.memory_space<semaphore_mem>>) src(%arg5 : memref<1x4096xi32, #tpu.memory_space<hbm>>) dst(%arg10 : memref<1x4096xi32, #tpu.memory_space<vmem>>)
      tpu.yield
    }) : () -> ()
    "tpu.region"() ({
      %run_scoped3A_250 = tpu.sem_alloc : memref<!tpu.dma_semaphore, #tpu.memory_space<semaphore_mem>>
      tpu.enqueue_dma source(%arg6 : memref<1x2048xi32, #tpu.memory_space<hbm>>) target(%arg11 : memref<1x2048xi32, #tpu.memory_space<vmem>>) target_semaphore(%run_scoped3A_250 : memref<!tpu.dma_semaphore, #tpu.memory_space<semaphore_mem>>)
      tpu.wait_dma2 semaphore(%run_scoped3A_250 : memref<!tpu.dma_semaphore, #tpu.memory_space<semaphore_mem>>) src(%arg6 : memref<1x2048xi32, #tpu.memory_space<hbm>>) dst(%arg11 : memref<1x2048xi32, #tpu.memory_space<vmem>>)
      tpu.yield
    }) : () -> ()
    "tpu.region"() ({
      %run_scoped3A_250 = tpu.sem_alloc : memref<!tpu.dma_semaphore, #tpu.memory_space<semaphore_mem>>
      tpu.enqueue_dma source(%arg7 : memref<1x2048xi32, #tpu.memory_space<hbm>>) target(%arg12 : memref<1x2048xi32, #tpu.memory_space<vmem>>) target_semaphore(%run_scoped3A_250 : memref<!tpu.dma_semaphore, #tpu.memory_space<semaphore_mem>>)
      tpu.wait_dma2 semaphore(%run_scoped3A_250 : memref<!tpu.dma_semaphore, #tpu.memory_space<semaphore_mem>>) src(%arg7 : memref<1x2048xi32, #tpu.memory_space<hbm>>) dst(%arg12 : memref<1x2048xi32, #tpu.memory_space<vmem>>)
      tpu.yield
    }) : () -> ()
    %mul3A_1 = arith.constant 128 : i32
    %mul3A_2 = arith.muli %add3A, %mul3A_1 : i32
    %add3A_3 = arith.constant 0 : i32
    %add3A_4 = arith.addi %mul3A_2, %add3A_3 : i32
    %dma_start3A = arith.constant 0 : i32
    %dma_start3A_5 = tpu.memref_slice %arg9[%dma_start3A, %add3A_4] : memref<1x4096xi32, #tpu.memory_space<vmem>> -> memref<1x16xi32, #tpu.memory_space<vmem>>
    %dma_start3A_6 = tpu.memref_squeeze %dma_start3A_5 : memref<1x16xi32, #tpu.memory_space<vmem>> -> memref<16xi32, #tpu.memory_space<vmem>>
    %dma_start3A_7 = arith.constant 0 : i32
    %dma_start3A_8 = arith.constant 0 : i32
    %dma_start3A_9 = tpu.memref_slice %arg2[%dma_start3A_7, %dma_start3A_8] : memref<8192x2048xf32, #tpu.memory_space<hbm>> -> memref<8192x2048xf32, #tpu.memory_space<hbm>>
    tpu.enqueue_indirect_dma source(%dma_start3A_9 : memref<8192x2048xf32, #tpu.memory_space<hbm>>) target(%arg13 : memref<16x2048xf32, #tpu.memory_space<vmem>>) offsets(%dma_start3A_6 : memref<16xi32, #tpu.memory_space<vmem>>) semaphore(%arg15 : memref<!tpu.dma_semaphore, #tpu.memory_space<semaphore_mem>>)
    %dma_wait3A = arith.constant 0 : i32
    %dma_wait3A_10 = tpu.memref_slice %arg9[%dma_wait3A, %add3A_4] : memref<1x4096xi32, #tpu.memory_space<vmem>> -> memref<1x16xi32, #tpu.memory_space<vmem>>
    %dma_wait3A_11 = tpu.memref_squeeze %dma_wait3A_10 : memref<1x16xi32, #tpu.memory_space<vmem>> -> memref<16xi32, #tpu.memory_space<vmem>>
    %dma_wait3A_12 = arith.constant 0 : i32
    %dma_wait3A_13 = arith.constant 0 : i32
    %dma_wait3A_14 = tpu.memref_slice %arg2[%dma_wait3A_12, %dma_wait3A_13] : memref<8192x2048xf32, #tpu.memory_space<hbm>> -> memref<8192x2048xf32, #tpu.memory_space<hbm>>
    tpu.wait_indirect_dma semaphore(%arg15 : memref<!tpu.dma_semaphore, #tpu.memory_space<semaphore_mem>>) src(%dma_wait3A_14 : memref<8192x2048xf32, #tpu.memory_space<hbm>>) dst(%arg13 : memref<16x2048xf32, #tpu.memory_space<vmem>>)
    %mul3A_15 = arith.constant 128 : i32
    %mul3A_16 = arith.muli %add3A, %mul3A_15 : i32
    %add3A_17 = arith.constant 16 : i32
    %add3A_18 = arith.addi %mul3A_16, %add3A_17 : i32
    %dma_start3A_19 = arith.constant 0 : i32
    %dma_start3A_20 = tpu.memref_slice %arg9[%dma_start3A_19, %add3A_18] : memref<1x4096xi32, #tpu.memory_space<vmem>> -> memref<1x16xi32, #tpu.memory_space<vmem>>
    %dma_start3A_21 = tpu.memref_squeeze %dma_start3A_20 : memref<1x16xi32, #tpu.memory_space<vmem>> -> memref<16xi32, #tpu.memory_space<vmem>>
    %dma_start3A_22 = arith.constant 0 : i32
    %dma_start3A_23 = arith.constant 0 : i32
    %dma_start3A_24 = tpu.memref_slice %arg2[%dma_start3A_22, %dma_start3A_23] : memref<8192x2048xf32, #tpu.memory_space<hbm>> -> memref<8192x2048xf32, #tpu.memory_space<hbm>>
    tpu.enqueue_indirect_dma source(%dma_start3A_24 : memref<8192x2048xf32, #tpu.memory_space<hbm>>) target(%arg14 : memref<16x2048xf32, #tpu.memory_space<vmem>>) offsets(%dma_start3A_21 : memref<16xi32, #tpu.memory_space<vmem>>) semaphore(%arg16 : memref<!tpu.dma_semaphore, #tpu.memory_space<semaphore_mem>>)
    %mul3A_25 = arith.constant 128 : i32
    %mul3A_26 = arith.muli %add3A, %mul3A_25 : i32
    %add3A_27 = arith.constant 0 : i32
    %add3A_28 = arith.addi %mul3A_26, %add3A_27 : i32
    %run_scoped3A = arith.constant 0 : i32
    "tpu.region"() ({
      %run_scoped3A_250 = tpu.sem_alloc : memref<!tpu.dma_semaphore, #tpu.memory_space<semaphore_mem>>
      %dma_start3A_251 = tpu.memref_slice %arg10[%run_scoped3A, %add3A_28] : memref<1x4096xi32, #tpu.memory_space<vmem>> -> memref<1x16xi32, #tpu.memory_space<vmem>>
      %dma_start3A_252 = tpu.memref_squeeze %dma_start3A_251 : memref<1x16xi32, #tpu.memory_space<vmem>> -> memref<16xi32, #tpu.memory_space<vmem>>
      %dma_start3A_253 = arith.constant 0 : i32
      %dma_start3A_254 = arith.constant 0 : i32
      %dma_start3A_255 = tpu.memref_slice %arg8[%dma_start3A_253, %dma_start3A_254] : memref<6144x2048xf32, #tpu.memory_space<hbm>> -> memref<6144x2048xf32, #tpu.memory_space<hbm>>
      tpu.enqueue_indirect_dma source(%arg13 : memref<16x2048xf32, #tpu.memory_space<vmem>>) target(%dma_start3A_255 : memref<6144x2048xf32, #tpu.memory_space<hbm>>) offsets(%dma_start3A_252 : memref<16xi32, #tpu.memory_space<vmem>>) semaphore(%run_scoped3A_250 : memref<!tpu.dma_semaphore, #tpu.memory_space<semaphore_mem>>)
      %dma_wait3A_256 = tpu.memref_slice %arg10[%run_scoped3A, %add3A_28] : memref<1x4096xi32, #tpu.memory_space<vmem>> -> memref<1x16xi32, #tpu.memory_space<vmem>>
      %dma_wait3A_257 = tpu.memref_squeeze %dma_wait3A_256 : memref<1x16xi32, #tpu.memory_space<vmem>> -> memref<16xi32, #tpu.memory_space<vmem>>
      %dma_wait3A_258 = arith.constant 0 : i32
      %dma_wait3A_259 = arith.constant 0 : i32
      %dma_wait3A_260 = tpu.memref_slice %arg8[%dma_wait3A_258, %dma_wait3A_259] : memref<6144x2048xf32, #tpu.memory_space<hbm>> -> memref<6144x2048xf32, #tpu.memory_space<hbm>>
      tpu.wait_indirect_dma semaphore(%run_scoped3A_250 : memref<!tpu.dma_semaphore, #tpu.memory_space<semaphore_mem>>) src(%arg13 : memref<16x2048xf32, #tpu.memory_space<vmem>>) dst(%dma_wait3A_260 : memref<6144x2048xf32, #tpu.memory_space<hbm>>)
      tpu.yield
    }) : () -> ()
    %dma_wait3A_29 = arith.constant 0 : i32
    %dma_wait3A_30 = tpu.memref_slice %arg9[%dma_wait3A_29, %add3A_18] : memref<1x4096xi32, #tpu.memory_space<vmem>> -> memref<1x16xi32, #tpu.memory_space<vmem>>
    %dma_wait3A_31 = tpu.memref_squeeze %dma_wait3A_30 : memref<1x16xi32, #tpu.memory_space<vmem>> -> memref<16xi32, #tpu.memory_space<vmem>>
    %dma_wait3A_32 = arith.constant 0 : i32
    %dma_wait3A_33 = arith.constant 0 : i32
    %dma_wait3A_34 = tpu.memref_slice %arg2[%dma_wait3A_32, %dma_wait3A_33] : memref<8192x2048xf32, #tpu.memory_space<hbm>> -> memref<8192x2048xf32, #tpu.memory_space<hbm>>
    tpu.wait_indirect_dma semaphore(%arg16 : memref<!tpu.dma_semaphore, #tpu.memory_space<semaphore_mem>>) src(%dma_wait3A_34 : memref<8192x2048xf32, #tpu.memory_space<hbm>>) dst(%arg14 : memref<16x2048xf32, #tpu.memory_space<vmem>>)
    %mul3A_35 = arith.constant 128 : i32
    %mul3A_36 = arith.muli %add3A, %mul3A_35 : i32
    %add3A_37 = arith.constant 32 : i32
    %add3A_38 = arith.addi %mul3A_36, %add3A_37 : i32
    %dma_start3A_39 = arith.constant 0 : i32
    %dma_start3A_40 = tpu.memref_slice %arg9[%dma_start3A_39, %add3A_38] : memref<1x4096xi32, #tpu.memory_space<vmem>> -> memref<1x16xi32, #tpu.memory_space<vmem>>
    %dma_start3A_41 = tpu.memref_squeeze %dma_start3A_40 : memref<1x16xi32, #tpu.memory_space<vmem>> -> memref<16xi32, #tpu.memory_space<vmem>>
    %dma_start3A_42 = arith.constant 0 : i32
    %dma_start3A_43 = arith.constant 0 : i32
    %dma_start3A_44 = tpu.memref_slice %arg2[%dma_start3A_42, %dma_start3A_43] : memref<8192x2048xf32, #tpu.memory_space<hbm>> -> memref<8192x2048xf32, #tpu.memory_space<hbm>>
    tpu.enqueue_indirect_dma source(%dma_start3A_44 : memref<8192x2048xf32, #tpu.memory_space<hbm>>) target(%arg13 : memref<16x2048xf32, #tpu.memory_space<vmem>>) offsets(%dma_start3A_41 : memref<16xi32, #tpu.memory_space<vmem>>) semaphore(%arg15 : memref<!tpu.dma_semaphore, #tpu.memory_space<semaphore_mem>>)
    %mul3A_45 = arith.constant 128 : i32
    %mul3A_46 = arith.muli %add3A, %mul3A_45 : i32
    %add3A_47 = arith.constant 16 : i32
    %add3A_48 = arith.addi %mul3A_46, %add3A_47 : i32
    %run_scoped3A_49 = arith.constant 0 : i32
    "tpu.region"() ({
      %run_scoped3A_250 = tpu.sem_alloc : memref<!tpu.dma_semaphore, #tpu.memory_space<semaphore_mem>>
      %dma_start3A_251 = tpu.memref_slice %arg10[%run_scoped3A_49, %add3A_48] : memref<1x4096xi32, #tpu.memory_space<vmem>> -> memref<1x16xi32, #tpu.memory_space<vmem>>
      %dma_start3A_252 = tpu.memref_squeeze %dma_start3A_251 : memref<1x16xi32, #tpu.memory_space<vmem>> -> memref<16xi32, #tpu.memory_space<vmem>>
      %dma_start3A_253 = arith.constant 0 : i32
      %dma_start3A_254 = arith.constant 0 : i32
      %dma_start3A_255 = tpu.memref_slice %arg8[%dma_start3A_253, %dma_start3A_254] : memref<6144x2048xf32, #tpu.memory_space<hbm>> -> memref<6144x2048xf32, #tpu.memory_space<hbm>>
      tpu.enqueue_indirect_dma source(%arg14 : memref<16x2048xf32, #tpu.memory_space<vmem>>) target(%dma_start3A_255 : memref<6144x2048xf32, #tpu.memory_space<hbm>>) offsets(%dma_start3A_252 : memref<16xi32, #tpu.memory_space<vmem>>) semaphore(%run_scoped3A_250 : memref<!tpu.dma_semaphore, #tpu.memory_space<semaphore_mem>>)
      %dma_wait3A_256 = tpu.memref_slice %arg10[%run_scoped3A_49, %add3A_48] : memref<1x4096xi32, #tpu.memory_space<vmem>> -> memref<1x16xi32, #tpu.memory_space<vmem>>
      %dma_wait3A_257 = tpu.memref_squeeze %dma_wait3A_256 : memref<1x16xi32, #tpu.memory_space<vmem>> -> memref<16xi32, #tpu.memory_space<vmem>>
      %dma_wait3A_258 = arith.constant 0 : i32
      %dma_wait3A_259 = arith.constant 0 : i32
      %dma_wait3A_260 = tpu.memref_slice %arg8[%dma_wait3A_258, %dma_wait3A_259] : memref<6144x2048xf32, #tpu.memory_space<hbm>> -> memref<6144x2048xf32, #tpu.memory_space<hbm>>
      tpu.wait_indirect_dma semaphore(%run_scoped3A_250 : memref<!tpu.dma_semaphore, #tpu.memory_space<semaphore_mem>>) src(%arg14 : memref<16x2048xf32, #tpu.memory_space<vmem>>) dst(%dma_wait3A_260 : memref<6144x2048xf32, #tpu.memory_space<hbm>>)
      tpu.yield
    }) : () -> ()
    %dma_wait3A_50 = arith.constant 0 : i32
    %dma_wait3A_51 = tpu.memref_slice %arg9[%dma_wait3A_50, %add3A_38] : memref<1x4096xi32, #tpu.memory_space<vmem>> -> memref<1x16xi32, #tpu.memory_space<vmem>>
    %dma_wait3A_52 = tpu.memref_squeeze %dma_wait3A_51 : memref<1x16xi32, #tpu.memory_space<vmem>> -> memref<16xi32, #tpu.memory_space<vmem>>
    %dma_wait3A_53 = arith.constant 0 : i32
    %dma_wait3A_54 = arith.constant 0 : i32
    %dma_wait3A_55 = tpu.memref_slice %arg2[%dma_wait3A_53, %dma_wait3A_54] : memref<8192x2048xf32, #tpu.memory_space<hbm>> -> memref<8192x2048xf32, #tpu.memory_space<hbm>>
    tpu.wait_indirect_dma semaphore(%arg15 : memref<!tpu.dma_semaphore, #tpu.memory_space<semaphore_mem>>) src(%dma_wait3A_55 : memref<8192x2048xf32, #tpu.memory_space<hbm>>) dst(%arg13 : memref<16x2048xf32, #tpu.memory_space<vmem>>)
    %mul3A_56 = arith.constant 128 : i32
    %mul3A_57 = arith.muli %add3A, %mul3A_56 : i32
    %add3A_58 = arith.constant 48 : i32
    %add3A_59 = arith.addi %mul3A_57, %add3A_58 : i32
    %dma_start3A_60 = arith.constant 0 : i32
    %dma_start3A_61 = tpu.memref_slice %arg9[%dma_start3A_60, %add3A_59] : memref<1x4096xi32, #tpu.memory_space<vmem>> -> memref<1x16xi32, #tpu.memory_space<vmem>>
    %dma_start3A_62 = tpu.memref_squeeze %dma_start3A_61 : memref<1x16xi32, #tpu.memory_space<vmem>> -> memref<16xi32, #tpu.memory_space<vmem>>
    %dma_start3A_63 = arith.constant 0 : i32
    %dma_start3A_64 = arith.constant 0 : i32
    %dma_start3A_65 = tpu.memref_slice %arg2[%dma_start3A_63, %dma_start3A_64] : memref<8192x2048xf32, #tpu.memory_space<hbm>> -> memref<8192x2048xf32, #tpu.memory_space<hbm>>
    tpu.enqueue_indirect_dma source(%dma_start3A_65 : memref<8192x2048xf32, #tpu.memory_space<hbm>>) target(%arg14 : memref<16x2048xf32, #tpu.memory_space<vmem>>) offsets(%dma_start3A_62 : memref<16xi32, #tpu.memory_space<vmem>>) semaphore(%arg16 : memref<!tpu.dma_semaphore, #tpu.memory_space<semaphore_mem>>)
    %mul3A_66 = arith.constant 128 : i32
    %mul3A_67 = arith.muli %add3A, %mul3A_66 : i32
    %add3A_68 = arith.constant 32 : i32
    %add3A_69 = arith.addi %mul3A_67, %add3A_68 : i32
    %run_scoped3A_70 = arith.constant 0 : i32
    "tpu.region"() ({
      %run_scoped3A_250 = tpu.sem_alloc : memref<!tpu.dma_semaphore, #tpu.memory_space<semaphore_mem>>
      %dma_start3A_251 = tpu.memref_slice %arg10[%run_scoped3A_70, %add3A_69] : memref<1x4096xi32, #tpu.memory_space<vmem>> -> memref<1x16xi32, #tpu.memory_space<vmem>>
      %dma_start3A_252 = tpu.memref_squeeze %dma_start3A_251 : memref<1x16xi32, #tpu.memory_space<vmem>> -> memref<16xi32, #tpu.memory_space<vmem>>
      %dma_start3A_253 = arith.constant 0 : i32
      %dma_start3A_254 = arith.constant 0 : i32
      %dma_start3A_255 = tpu.memref_slice %arg8[%dma_start3A_253, %dma_start3A_254] : memref<6144x2048xf32, #tpu.memory_space<hbm>> -> memref<6144x2048xf32, #tpu.memory_space<hbm>>
      tpu.enqueue_indirect_dma source(%arg13 : memref<16x2048xf32, #tpu.memory_space<vmem>>) target(%dma_start3A_255 : memref<6144x2048xf32, #tpu.memory_space<hbm>>) offsets(%dma_start3A_252 : memref<16xi32, #tpu.memory_space<vmem>>) semaphore(%run_scoped3A_250 : memref<!tpu.dma_semaphore, #tpu.memory_space<semaphore_mem>>)
      %dma_wait3A_256 = tpu.memref_slice %arg10[%run_scoped3A_70, %add3A_69] : memref<1x4096xi32, #tpu.memory_space<vmem>> -> memref<1x16xi32, #tpu.memory_space<vmem>>
      %dma_wait3A_257 = tpu.memref_squeeze %dma_wait3A_256 : memref<1x16xi32, #tpu.memory_space<vmem>> -> memref<16xi32, #tpu.memory_space<vmem>>
      %dma_wait3A_258 = arith.constant 0 : i32
      %dma_wait3A_259 = arith.constant 0 : i32
      %dma_wait3A_260 = tpu.memref_slice %arg8[%dma_wait3A_258, %dma_wait3A_259] : memref<6144x2048xf32, #tpu.memory_space<hbm>> -> memref<6144x2048xf32, #tpu.memory_space<hbm>>
      tpu.wait_indirect_dma semaphore(%run_scoped3A_250 : memref<!tpu.dma_semaphore, #tpu.memory_space<semaphore_mem>>) src(%arg13 : memref<16x2048xf32, #tpu.memory_space<vmem>>) dst(%dma_wait3A_260 : memref<6144x2048xf32, #tpu.memory_space<hbm>>)
      tpu.yield
    }) : () -> ()
    %dma_wait3A_71 = arith.constant 0 : i32
    %dma_wait3A_72 = tpu.memref_slice %arg9[%dma_wait3A_71, %add3A_59] : memref<1x4096xi32, #tpu.memory_space<vmem>> -> memref<1x16xi32, #tpu.memory_space<vmem>>
    %dma_wait3A_73 = tpu.memref_squeeze %dma_wait3A_72 : memref<1x16xi32, #tpu.memory_space<vmem>> -> memref<16xi32, #tpu.memory_space<vmem>>
    %dma_wait3A_74 = arith.constant 0 : i32
    %dma_wait3A_75 = arith.constant 0 : i32
    %dma_wait3A_76 = tpu.memref_slice %arg2[%dma_wait3A_74, %dma_wait3A_75] : memref<8192x2048xf32, #tpu.memory_space<hbm>> -> memref<8192x2048xf32, #tpu.memory_space<hbm>>
    tpu.wait_indirect_dma semaphore(%arg16 : memref<!tpu.dma_semaphore, #tpu.memory_space<semaphore_mem>>) src(%dma_wait3A_76 : memref<8192x2048xf32, #tpu.memory_space<hbm>>) dst(%arg14 : memref<16x2048xf32, #tpu.memory_space<vmem>>)
    %mul3A_77 = arith.constant 128 : i32
    %mul3A_78 = arith.muli %add3A, %mul3A_77 : i32
    %add3A_79 = arith.constant 64 : i32
    %add3A_80 = arith.addi %mul3A_78, %add3A_79 : i32
    %dma_start3A_81 = arith.constant 0 : i32
    %dma_start3A_82 = tpu.memref_slice %arg9[%dma_start3A_81, %add3A_80] : memref<1x4096xi32, #tpu.memory_space<vmem>> -> memref<1x16xi32, #tpu.memory_space<vmem>>
    %dma_start3A_83 = tpu.memref_squeeze %dma_start3A_82 : memref<1x16xi32, #tpu.memory_space<vmem>> -> memref<16xi32, #tpu.memory_space<vmem>>
    %dma_start3A_84 = arith.constant 0 : i32
    %dma_start3A_85 = arith.constant 0 : i32
    %dma_start3A_86 = tpu.memref_slice %arg2[%dma_start3A_84, %dma_start3A_85] : memref<8192x2048xf32, #tpu.memory_space<hbm>> -> memref<8192x2048xf32, #tpu.memory_space<hbm>>
    tpu.enqueue_indirect_dma source(%dma_start3A_86 : memref<8192x2048xf32, #tpu.memory_space<hbm>>) target(%arg13 : memref<16x2048xf32, #tpu.memory_space<vmem>>) offsets(%dma_start3A_83 : memref<16xi32, #tpu.memory_space<vmem>>) semaphore(%arg15 : memref<!tpu.dma_semaphore, #tpu.memory_space<semaphore_mem>>)
    %mul3A_87 = arith.constant 128 : i32
    %mul3A_88 = arith.muli %add3A, %mul3A_87 : i32
    %add3A_89 = arith.constant 48 : i32
    %add3A_90 = arith.addi %mul3A_88, %add3A_89 : i32
    %run_scoped3A_91 = arith.constant 0 : i32
    "tpu.region"() ({
      %run_scoped3A_250 = tpu.sem_alloc : memref<!tpu.dma_semaphore, #tpu.memory_space<semaphore_mem>>
      %dma_start3A_251 = tpu.memref_slice %arg10[%run_scoped3A_91, %add3A_90] : memref<1x4096xi32, #tpu.memory_space<vmem>> -> memref<1x16xi32, #tpu.memory_space<vmem>>
      %dma_start3A_252 = tpu.memref_squeeze %dma_start3A_251 : memref<1x16xi32, #tpu.memory_space<vmem>> -> memref<16xi32, #tpu.memory_space<vmem>>
      %dma_start3A_253 = arith.constant 0 : i32
      %dma_start3A_254 = arith.constant 0 : i32
      %dma_start3A_255 = tpu.memref_slice %arg8[%dma_start3A_253, %dma_start3A_254] : memref<6144x2048xf32, #tpu.memory_space<hbm>> -> memref<6144x2048xf32, #tpu.memory_space<hbm>>
      tpu.enqueue_indirect_dma source(%arg14 : memref<16x2048xf32, #tpu.memory_space<vmem>>) target(%dma_start3A_255 : memref<6144x2048xf32, #tpu.memory_space<hbm>>) offsets(%dma_start3A_252 : memref<16xi32, #tpu.memory_space<vmem>>) semaphore(%run_scoped3A_250 : memref<!tpu.dma_semaphore, #tpu.memory_space<semaphore_mem>>)
      %dma_wait3A_256 = tpu.memref_slice %arg10[%run_scoped3A_91, %add3A_90] : memref<1x4096xi32, #tpu.memory_space<vmem>> -> memref<1x16xi32, #tpu.memory_space<vmem>>
      %dma_wait3A_257 = tpu.memref_squeeze %dma_wait3A_256 : memref<1x16xi32, #tpu.memory_space<vmem>> -> memref<16xi32, #tpu.memory_space<vmem>>
      %dma_wait3A_258 = arith.constant 0 : i32
      %dma_wait3A_259 = arith.constant 0 : i32
      %dma_wait3A_260 = tpu.memref_slice %arg8[%dma_wait3A_258, %dma_wait3A_259] : memref<6144x2048xf32, #tpu.memory_space<hbm>> -> memref<6144x2048xf32, #tpu.memory_space<hbm>>
      tpu.wait_indirect_dma semaphore(%run_scoped3A_250 : memref<!tpu.dma_semaphore, #tpu.memory_space<semaphore_mem>>) src(%arg14 : memref<16x2048xf32, #tpu.memory_space<vmem>>) dst(%dma_wait3A_260 : memref<6144x2048xf32, #tpu.memory_space<hbm>>)
      tpu.yield
    }) : () -> ()
    %dma_wait3A_92 = arith.constant 0 : i32
    %dma_wait3A_93 = tpu.memref_slice %arg9[%dma_wait3A_92, %add3A_80] : memref<1x4096xi32, #tpu.memory_space<vmem>> -> memref<1x16xi32, #tpu.memory_space<vmem>>
    %dma_wait3A_94 = tpu.memref_squeeze %dma_wait3A_93 : memref<1x16xi32, #tpu.memory_space<vmem>> -> memref<16xi32, #tpu.memory_space<vmem>>
    %dma_wait3A_95 = arith.constant 0 : i32
    %dma_wait3A_96 = arith.constant 0 : i32
    %dma_wait3A_97 = tpu.memref_slice %arg2[%dma_wait3A_95, %dma_wait3A_96] : memref<8192x2048xf32, #tpu.memory_space<hbm>> -> memref<8192x2048xf32, #tpu.memory_space<hbm>>
    tpu.wait_indirect_dma semaphore(%arg15 : memref<!tpu.dma_semaphore, #tpu.memory_space<semaphore_mem>>) src(%dma_wait3A_97 : memref<8192x2048xf32, #tpu.memory_space<hbm>>) dst(%arg13 : memref<16x2048xf32, #tpu.memory_space<vmem>>)
    %mul3A_98 = arith.constant 128 : i32
    %mul3A_99 = arith.muli %add3A, %mul3A_98 : i32
    %add3A_100 = arith.constant 80 : i32
    %add3A_101 = arith.addi %mul3A_99, %add3A_100 : i32
    %dma_start3A_102 = arith.constant 0 : i32
    %dma_start3A_103 = tpu.memref_slice %arg9[%dma_start3A_102, %add3A_101] : memref<1x4096xi32, #tpu.memory_space<vmem>> -> memref<1x16xi32, #tpu.memory_space<vmem>>
    %dma_start3A_104 = tpu.memref_squeeze %dma_start3A_103 : memref<1x16xi32, #tpu.memory_space<vmem>> -> memref<16xi32, #tpu.memory_space<vmem>>
    %dma_start3A_105 = arith.constant 0 : i32
    %dma_start3A_106 = arith.constant 0 : i32
    %dma_start3A_107 = tpu.memref_slice %arg2[%dma_start3A_105, %dma_start3A_106] : memref<8192x2048xf32, #tpu.memory_space<hbm>> -> memref<8192x2048xf32, #tpu.memory_space<hbm>>
    tpu.enqueue_indirect_dma source(%dma_start3A_107 : memref<8192x2048xf32, #tpu.memory_space<hbm>>) target(%arg14 : memref<16x2048xf32, #tpu.memory_space<vmem>>) offsets(%dma_start3A_104 : memref<16xi32, #tpu.memory_space<vmem>>) semaphore(%arg16 : memref<!tpu.dma_semaphore, #tpu.memory_space<semaphore_mem>>)
    %mul3A_108 = arith.constant 128 : i32
    %mul3A_109 = arith.muli %add3A, %mul3A_108 : i32
    %add3A_110 = arith.constant 64 : i32
    %add3A_111 = arith.addi %mul3A_109, %add3A_110 : i32
    %run_scoped3A_112 = arith.constant 0 : i32
    "tpu.region"() ({
      %run_scoped3A_250 = tpu.sem_alloc : memref<!tpu.dma_semaphore, #tpu.memory_space<semaphore_mem>>
      %dma_start3A_251 = tpu.memref_slice %arg10[%run_scoped3A_112, %add3A_111] : memref<1x4096xi32, #tpu.memory_space<vmem>> -> memref<1x16xi32, #tpu.memory_space<vmem>>
      %dma_start3A_252 = tpu.memref_squeeze %dma_start3A_251 : memref<1x16xi32, #tpu.memory_space<vmem>> -> memref<16xi32, #tpu.memory_space<vmem>>
      %dma_start3A_253 = arith.constant 0 : i32
      %dma_start3A_254 = arith.constant 0 : i32
      %dma_start3A_255 = tpu.memref_slice %arg8[%dma_start3A_253, %dma_start3A_254] : memref<6144x2048xf32, #tpu.memory_space<hbm>> -> memref<6144x2048xf32, #tpu.memory_space<hbm>>
      tpu.enqueue_indirect_dma source(%arg13 : memref<16x2048xf32, #tpu.memory_space<vmem>>) target(%dma_start3A_255 : memref<6144x2048xf32, #tpu.memory_space<hbm>>) offsets(%dma_start3A_252 : memref<16xi32, #tpu.memory_space<vmem>>) semaphore(%run_scoped3A_250 : memref<!tpu.dma_semaphore, #tpu.memory_space<semaphore_mem>>)
      %dma_wait3A_256 = tpu.memref_slice %arg10[%run_scoped3A_112, %add3A_111] : memref<1x4096xi32, #tpu.memory_space<vmem>> -> memref<1x16xi32, #tpu.memory_space<vmem>>
      %dma_wait3A_257 = tpu.memref_squeeze %dma_wait3A_256 : memref<1x16xi32, #tpu.memory_space<vmem>> -> memref<16xi32, #tpu.memory_space<vmem>>
      %dma_wait3A_258 = arith.constant 0 : i32
      %dma_wait3A_259 = arith.constant 0 : i32
      %dma_wait3A_260 = tpu.memref_slice %arg8[%dma_wait3A_258, %dma_wait3A_259] : memref<6144x2048xf32, #tpu.memory_space<hbm>> -> memref<6144x2048xf32, #tpu.memory_space<hbm>>
      tpu.wait_indirect_dma semaphore(%run_scoped3A_250 : memref<!tpu.dma_semaphore, #tpu.memory_space<semaphore_mem>>) src(%arg13 : memref<16x2048xf32, #tpu.memory_space<vmem>>) dst(%dma_wait3A_260 : memref<6144x2048xf32, #tpu.memory_space<hbm>>)
      tpu.yield
    }) : () -> ()
    %dma_wait3A_113 = arith.constant 0 : i32
    %dma_wait3A_114 = tpu.memref_slice %arg9[%dma_wait3A_113, %add3A_101] : memref<1x4096xi32, #tpu.memory_space<vmem>> -> memref<1x16xi32, #tpu.memory_space<vmem>>
    %dma_wait3A_115 = tpu.memref_squeeze %dma_wait3A_114 : memref<1x16xi32, #tpu.memory_space<vmem>> -> memref<16xi32, #tpu.memory_space<vmem>>
    %dma_wait3A_116 = arith.constant 0 : i32
    %dma_wait3A_117 = arith.constant 0 : i32
    %dma_wait3A_118 = tpu.memref_slice %arg2[%dma_wait3A_116, %dma_wait3A_117] : memref<8192x2048xf32, #tpu.memory_space<hbm>> -> memref<8192x2048xf32, #tpu.memory_space<hbm>>
    tpu.wait_indirect_dma semaphore(%arg16 : memref<!tpu.dma_semaphore, #tpu.memory_space<semaphore_mem>>) src(%dma_wait3A_118 : memref<8192x2048xf32, #tpu.memory_space<hbm>>) dst(%arg14 : memref<16x2048xf32, #tpu.memory_space<vmem>>)
    %mul3A_119 = arith.constant 128 : i32
    %mul3A_120 = arith.muli %add3A, %mul3A_119 : i32
    %add3A_121 = arith.constant 96 : i32
    %add3A_122 = arith.addi %mul3A_120, %add3A_121 : i32
    %dma_start3A_123 = arith.constant 0 : i32
    %dma_start3A_124 = tpu.memref_slice %arg9[%dma_start3A_123, %add3A_122] : memref<1x4096xi32, #tpu.memory_space<vmem>> -> memref<1x16xi32, #tpu.memory_space<vmem>>
    %dma_start3A_125 = tpu.memref_squeeze %dma_start3A_124 : memref<1x16xi32, #tpu.memory_space<vmem>> -> memref<16xi32, #tpu.memory_space<vmem>>
    %dma_start3A_126 = arith.constant 0 : i32
    %dma_start3A_127 = arith.constant 0 : i32
    %dma_start3A_128 = tpu.memref_slice %arg2[%dma_start3A_126, %dma_start3A_127] : memref<8192x2048xf32, #tpu.memory_space<hbm>> -> memref<8192x2048xf32, #tpu.memory_space<hbm>>
    tpu.enqueue_indirect_dma source(%dma_start3A_128 : memref<8192x2048xf32, #tpu.memory_space<hbm>>) target(%arg13 : memref<16x2048xf32, #tpu.memory_space<vmem>>) offsets(%dma_start3A_125 : memref<16xi32, #tpu.memory_space<vmem>>) semaphore(%arg15 : memref<!tpu.dma_semaphore, #tpu.memory_space<semaphore_mem>>)
    %mul3A_129 = arith.constant 128 : i32
    %mul3A_130 = arith.muli %add3A, %mul3A_129 : i32
    %add3A_131 = arith.constant 80 : i32
    %add3A_132 = arith.addi %mul3A_130, %add3A_131 : i32
    %run_scoped3A_133 = arith.constant 0 : i32
    "tpu.region"() ({
      %run_scoped3A_250 = tpu.sem_alloc : memref<!tpu.dma_semaphore, #tpu.memory_space<semaphore_mem>>
      %dma_start3A_251 = tpu.memref_slice %arg10[%run_scoped3A_133, %add3A_132] : memref<1x4096xi32, #tpu.memory_space<vmem>> -> memref<1x16xi32, #tpu.memory_space<vmem>>
      %dma_start3A_252 = tpu.memref_squeeze %dma_start3A_251 : memref<1x16xi32, #tpu.memory_space<vmem>> -> memref<16xi32, #tpu.memory_space<vmem>>
      %dma_start3A_253 = arith.constant 0 : i32
      %dma_start3A_254 = arith.constant 0 : i32
      %dma_start3A_255 = tpu.memref_slice %arg8[%dma_start3A_253, %dma_start3A_254] : memref<6144x2048xf32, #tpu.memory_space<hbm>> -> memref<6144x2048xf32, #tpu.memory_space<hbm>>
      tpu.enqueue_indirect_dma source(%arg14 : memref<16x2048xf32, #tpu.memory_space<vmem>>) target(%dma_start3A_255 : memref<6144x2048xf32, #tpu.memory_space<hbm>>) offsets(%dma_start3A_252 : memref<16xi32, #tpu.memory_space<vmem>>) semaphore(%run_scoped3A_250 : memref<!tpu.dma_semaphore, #tpu.memory_space<semaphore_mem>>)
      %dma_wait3A_256 = tpu.memref_slice %arg10[%run_scoped3A_133, %add3A_132] : memref<1x4096xi32, #tpu.memory_space<vmem>> -> memref<1x16xi32, #tpu.memory_space<vmem>>
      %dma_wait3A_257 = tpu.memref_squeeze %dma_wait3A_256 : memref<1x16xi32, #tpu.memory_space<vmem>> -> memref<16xi32, #tpu.memory_space<vmem>>
      %dma_wait3A_258 = arith.constant 0 : i32
      %dma_wait3A_259 = arith.constant 0 : i32
      %dma_wait3A_260 = tpu.memref_slice %arg8[%dma_wait3A_258, %dma_wait3A_259] : memref<6144x2048xf32, #tpu.memory_space<hbm>> -> memref<6144x2048xf32, #tpu.memory_space<hbm>>
      tpu.wait_indirect_dma semaphore(%run_scoped3A_250 : memref<!tpu.dma_semaphore, #tpu.memory_space<semaphore_mem>>) src(%arg14 : memref<16x2048xf32, #tpu.memory_space<vmem>>) dst(%dma_wait3A_260 : memref<6144x2048xf32, #tpu.memory_space<hbm>>)
      tpu.yield
    }) : () -> ()
    %dma_wait3A_134 = arith.constant 0 : i32
    %dma_wait3A_135 = tpu.memref_slice %arg9[%dma_wait3A_134, %add3A_122] : memref<1x4096xi32, #tpu.memory_space<vmem>> -> memref<1x16xi32, #tpu.memory_space<vmem>>
    %dma_wait3A_136 = tpu.memref_squeeze %dma_wait3A_135 : memref<1x16xi32, #tpu.memory_space<vmem>> -> memref<16xi32, #tpu.memory_space<vmem>>
    %dma_wait3A_137 = arith.constant 0 : i32
    %dma_wait3A_138 = arith.constant 0 : i32
    %dma_wait3A_139 = tpu.memref_slice %arg2[%dma_wait3A_137, %dma_wait3A_138] : memref<8192x2048xf32, #tpu.memory_space<hbm>> -> memref<8192x2048xf32, #tpu.memory_space<hbm>>
    tpu.wait_indirect_dma semaphore(%arg15 : memref<!tpu.dma_semaphore, #tpu.memory_space<semaphore_mem>>) src(%dma_wait3A_139 : memref<8192x2048xf32, #tpu.memory_space<hbm>>) dst(%arg13 : memref<16x2048xf32, #tpu.memory_space<vmem>>)
    %mul3A_140 = arith.constant 128 : i32
    %mul3A_141 = arith.muli %add3A, %mul3A_140 : i32
    %add3A_142 = arith.constant 112 : i32
    %add3A_143 = arith.addi %mul3A_141, %add3A_142 : i32
    %dma_start3A_144 = arith.constant 0 : i32
    %dma_start3A_145 = tpu.memref_slice %arg9[%dma_start3A_144, %add3A_143] : memref<1x4096xi32, #tpu.memory_space<vmem>> -> memref<1x16xi32, #tpu.memory_space<vmem>>
    %dma_start3A_146 = tpu.memref_squeeze %dma_start3A_145 : memref<1x16xi32, #tpu.memory_space<vmem>> -> memref<16xi32, #tpu.memory_space<vmem>>
    %dma_start3A_147 = arith.constant 0 : i32
    %dma_start3A_148 = arith.constant 0 : i32
    %dma_start3A_149 = tpu.memref_slice %arg2[%dma_start3A_147, %dma_start3A_148] : memref<8192x2048xf32, #tpu.memory_space<hbm>> -> memref<8192x2048xf32, #tpu.memory_space<hbm>>
    tpu.enqueue_indirect_dma source(%dma_start3A_149 : memref<8192x2048xf32, #tpu.memory_space<hbm>>) target(%arg14 : memref<16x2048xf32, #tpu.memory_space<vmem>>) offsets(%dma_start3A_146 : memref<16xi32, #tpu.memory_space<vmem>>) semaphore(%arg16 : memref<!tpu.dma_semaphore, #tpu.memory_space<semaphore_mem>>)
    %mul3A_150 = arith.constant 128 : i32
    %mul3A_151 = arith.muli %add3A, %mul3A_150 : i32
    %add3A_152 = arith.constant 96 : i32
    %add3A_153 = arith.addi %mul3A_151, %add3A_152 : i32
    %run_scoped3A_154 = arith.constant 0 : i32
    "tpu.region"() ({
      %run_scoped3A_250 = tpu.sem_alloc : memref<!tpu.dma_semaphore, #tpu.memory_space<semaphore_mem>>
      %dma_start3A_251 = tpu.memref_slice %arg10[%run_scoped3A_154, %add3A_153] : memref<1x4096xi32, #tpu.memory_space<vmem>> -> memref<1x16xi32, #tpu.memory_space<vmem>>
      %dma_start3A_252 = tpu.memref_squeeze %dma_start3A_251 : memref<1x16xi32, #tpu.memory_space<vmem>> -> memref<16xi32, #tpu.memory_space<vmem>>
      %dma_start3A_253 = arith.constant 0 : i32
      %dma_start3A_254 = arith.constant 0 : i32
      %dma_start3A_255 = tpu.memref_slice %arg8[%dma_start3A_253, %dma_start3A_254] : memref<6144x2048xf32, #tpu.memory_space<hbm>> -> memref<6144x2048xf32, #tpu.memory_space<hbm>>
      tpu.enqueue_indirect_dma source(%arg13 : memref<16x2048xf32, #tpu.memory_space<vmem>>) target(%dma_start3A_255 : memref<6144x2048xf32, #tpu.memory_space<hbm>>) offsets(%dma_start3A_252 : memref<16xi32, #tpu.memory_space<vmem>>) semaphore(%run_scoped3A_250 : memref<!tpu.dma_semaphore, #tpu.memory_space<semaphore_mem>>)
      %dma_wait3A_256 = tpu.memref_slice %arg10[%run_scoped3A_154, %add3A_153] : memref<1x4096xi32, #tpu.memory_space<vmem>> -> memref<1x16xi32, #tpu.memory_space<vmem>>
      %dma_wait3A_257 = tpu.memref_squeeze %dma_wait3A_256 : memref<1x16xi32, #tpu.memory_space<vmem>> -> memref<16xi32, #tpu.memory_space<vmem>>
      %dma_wait3A_258 = arith.constant 0 : i32
      %dma_wait3A_259 = arith.constant 0 : i32
      %dma_wait3A_260 = tpu.memref_slice %arg8[%dma_wait3A_258, %dma_wait3A_259] : memref<6144x2048xf32, #tpu.memory_space<hbm>> -> memref<6144x2048xf32, #tpu.memory_space<hbm>>
      tpu.wait_indirect_dma semaphore(%run_scoped3A_250 : memref<!tpu.dma_semaphore, #tpu.memory_space<semaphore_mem>>) src(%arg13 : memref<16x2048xf32, #tpu.memory_space<vmem>>) dst(%dma_wait3A_260 : memref<6144x2048xf32, #tpu.memory_space<hbm>>)
      tpu.yield
    }) : () -> ()
    %dma_wait3A_155 = arith.constant 0 : i32
    %dma_wait3A_156 = tpu.memref_slice %arg9[%dma_wait3A_155, %add3A_143] : memref<1x4096xi32, #tpu.memory_space<vmem>> -> memref<1x16xi32, #tpu.memory_space<vmem>>
    %dma_wait3A_157 = tpu.memref_squeeze %dma_wait3A_156 : memref<1x16xi32, #tpu.memory_space<vmem>> -> memref<16xi32, #tpu.memory_space<vmem>>
    %dma_wait3A_158 = arith.constant 0 : i32
    %dma_wait3A_159 = arith.constant 0 : i32
    %dma_wait3A_160 = tpu.memref_slice %arg2[%dma_wait3A_158, %dma_wait3A_159] : memref<8192x2048xf32, #tpu.memory_space<hbm>> -> memref<8192x2048xf32, #tpu.memory_space<hbm>>
    tpu.wait_indirect_dma semaphore(%arg16 : memref<!tpu.dma_semaphore, #tpu.memory_space<semaphore_mem>>) src(%dma_wait3A_160 : memref<8192x2048xf32, #tpu.memory_space<hbm>>) dst(%arg14 : memref<16x2048xf32, #tpu.memory_space<vmem>>)
    %mul3A_161 = arith.constant 128 : i32
    %mul3A_162 = arith.muli %add3A, %mul3A_161 : i32
    %add3A_163 = arith.constant 112 : i32
    %add3A_164 = arith.addi %mul3A_162, %add3A_163 : i32
    %run_scoped3A_165 = arith.constant 0 : i32
    "tpu.region"() ({
      %run_scoped3A_250 = tpu.sem_alloc : memref<!tpu.dma_semaphore, #tpu.memory_space<semaphore_mem>>
      %dma_start3A_251 = tpu.memref_slice %arg10[%run_scoped3A_165, %add3A_164] : memref<1x4096xi32, #tpu.memory_space<vmem>> -> memref<1x16xi32, #tpu.memory_space<vmem>>
      %dma_start3A_252 = tpu.memref_squeeze %dma_start3A_251 : memref<1x16xi32, #tpu.memory_space<vmem>> -> memref<16xi32, #tpu.memory_space<vmem>>
      %dma_start3A_253 = arith.constant 0 : i32
      %dma_start3A_254 = arith.constant 0 : i32
      %dma_start3A_255 = tpu.memref_slice %arg8[%dma_start3A_253, %dma_start3A_254] : memref<6144x2048xf32, #tpu.memory_space<hbm>> -> memref<6144x2048xf32, #tpu.memory_space<hbm>>
      tpu.enqueue_indirect_dma source(%arg14 : memref<16x2048xf32, #tpu.memory_space<vmem>>) target(%dma_start3A_255 : memref<6144x2048xf32, #tpu.memory_space<hbm>>) offsets(%dma_start3A_252 : memref<16xi32, #tpu.memory_space<vmem>>) semaphore(%run_scoped3A_250 : memref<!tpu.dma_semaphore, #tpu.memory_space<semaphore_mem>>)
      %dma_wait3A_256 = tpu.memref_slice %arg10[%run_scoped3A_165, %add3A_164] : memref<1x4096xi32, #tpu.memory_space<vmem>> -> memref<1x16xi32, #tpu.memory_space<vmem>>
      %dma_wait3A_257 = tpu.memref_squeeze %dma_wait3A_256 : memref<1x16xi32, #tpu.memory_space<vmem>> -> memref<16xi32, #tpu.memory_space<vmem>>
      %dma_wait3A_258 = arith.constant 0 : i32
      %dma_wait3A_259 = arith.constant 0 : i32
      %dma_wait3A_260 = tpu.memref_slice %arg8[%dma_wait3A_258, %dma_wait3A_259] : memref<6144x2048xf32, #tpu.memory_space<hbm>> -> memref<6144x2048xf32, #tpu.memory_space<hbm>>
      tpu.wait_indirect_dma semaphore(%run_scoped3A_250 : memref<!tpu.dma_semaphore, #tpu.memory_space<semaphore_mem>>) src(%arg14 : memref<16x2048xf32, #tpu.memory_space<vmem>>) dst(%dma_wait3A_260 : memref<6144x2048xf32, #tpu.memory_space<hbm>>)
      tpu.yield
    }) : () -> ()
    %mul3A_166 = arith.constant 64 : i32
    %mul3A_167 = arith.muli %add3A, %mul3A_166 : i32
    %add3A_168 = arith.constant 0 : i32
    %add3A_169 = arith.addi %mul3A_167, %add3A_168 : i32
    %dma_start3A_170 = arith.constant 0 : i32
    %dma_start3A_171 = tpu.memref_slice %arg11[%dma_start3A_170, %add3A_169] : memref<1x2048xi32, #tpu.memory_space<vmem>> -> memref<1x16xi32, #tpu.memory_space<vmem>>
    %dma_start3A_172 = tpu.memref_squeeze %dma_start3A_171 : memref<1x16xi32, #tpu.memory_space<vmem>> -> memref<16xi32, #tpu.memory_space<vmem>>
    %dma_start3A_173 = arith.constant 0 : i32
    %dma_start3A_174 = arith.constant 0 : i32
    %dma_start3A_175 = tpu.memref_slice %arg3[%dma_start3A_173, %dma_start3A_174] : memref<4096x2048xf32, #tpu.memory_space<hbm>> -> memref<4096x2048xf32, #tpu.memory_space<hbm>>
    tpu.enqueue_indirect_dma source(%dma_start3A_175 : memref<4096x2048xf32, #tpu.memory_space<hbm>>) target(%arg13 : memref<16x2048xf32, #tpu.memory_space<vmem>>) offsets(%dma_start3A_172 : memref<16xi32, #tpu.memory_space<vmem>>) semaphore(%arg15 : memref<!tpu.dma_semaphore, #tpu.memory_space<semaphore_mem>>)
    %dma_wait3A_176 = arith.constant 0 : i32
    %dma_wait3A_177 = tpu.memref_slice %arg11[%dma_wait3A_176, %add3A_169] : memref<1x2048xi32, #tpu.memory_space<vmem>> -> memref<1x16xi32, #tpu.memory_space<vmem>>
    %dma_wait3A_178 = tpu.memref_squeeze %dma_wait3A_177 : memref<1x16xi32, #tpu.memory_space<vmem>> -> memref<16xi32, #tpu.memory_space<vmem>>
    %dma_wait3A_179 = arith.constant 0 : i32
    %dma_wait3A_180 = arith.constant 0 : i32
    %dma_wait3A_181 = tpu.memref_slice %arg3[%dma_wait3A_179, %dma_wait3A_180] : memref<4096x2048xf32, #tpu.memory_space<hbm>> -> memref<4096x2048xf32, #tpu.memory_space<hbm>>
    tpu.wait_indirect_dma semaphore(%arg15 : memref<!tpu.dma_semaphore, #tpu.memory_space<semaphore_mem>>) src(%dma_wait3A_181 : memref<4096x2048xf32, #tpu.memory_space<hbm>>) dst(%arg13 : memref<16x2048xf32, #tpu.memory_space<vmem>>)
    %mul3A_182 = arith.constant 64 : i32
    %mul3A_183 = arith.muli %add3A, %mul3A_182 : i32
    %add3A_184 = arith.constant 16 : i32
    %add3A_185 = arith.addi %mul3A_183, %add3A_184 : i32
    %dma_start3A_186 = arith.constant 0 : i32
    %dma_start3A_187 = tpu.memref_slice %arg11[%dma_start3A_186, %add3A_185] : memref<1x2048xi32, #tpu.memory_space<vmem>> -> memref<1x16xi32, #tpu.memory_space<vmem>>
    %dma_start3A_188 = tpu.memref_squeeze %dma_start3A_187 : memref<1x16xi32, #tpu.memory_space<vmem>> -> memref<16xi32, #tpu.memory_space<vmem>>
    %dma_start3A_189 = arith.constant 0 : i32
    %dma_start3A_190 = arith.constant 0 : i32
    %dma_start3A_191 = tpu.memref_slice %arg3[%dma_start3A_189, %dma_start3A_190] : memref<4096x2048xf32, #tpu.memory_space<hbm>> -> memref<4096x2048xf32, #tpu.memory_space<hbm>>
    tpu.enqueue_indirect_dma source(%dma_start3A_191 : memref<4096x2048xf32, #tpu.memory_space<hbm>>) target(%arg14 : memref<16x2048xf32, #tpu.memory_space<vmem>>) offsets(%dma_start3A_188 : memref<16xi32, #tpu.memory_space<vmem>>) semaphore(%arg16 : memref<!tpu.dma_semaphore, #tpu.memory_space<semaphore_mem>>)
    %mul3A_192 = arith.constant 64 : i32
    %mul3A_193 = arith.muli %add3A, %mul3A_192 : i32
    %add3A_194 = arith.constant 0 : i32
    %add3A_195 = arith.addi %mul3A_193, %add3A_194 : i32
    %run_scoped3A_196 = arith.constant 0 : i32
    "tpu.region"() ({
      %run_scoped3A_250 = tpu.sem_alloc : memref<!tpu.dma_semaphore, #tpu.memory_space<semaphore_mem>>
      %dma_start3A_251 = tpu.memref_slice %arg12[%run_scoped3A_196, %add3A_195] : memref<1x2048xi32, #tpu.memory_space<vmem>> -> memref<1x16xi32, #tpu.memory_space<vmem>>
      %dma_start3A_252 = tpu.memref_squeeze %dma_start3A_251 : memref<1x16xi32, #tpu.memory_space<vmem>> -> memref<16xi32, #tpu.memory_space<vmem>>
      %dma_start3A_253 = arith.constant 0 : i32
      %dma_start3A_254 = arith.constant 0 : i32
      %dma_start3A_255 = tpu.memref_slice %arg8[%dma_start3A_253, %dma_start3A_254] : memref<6144x2048xf32, #tpu.memory_space<hbm>> -> memref<6144x2048xf32, #tpu.memory_space<hbm>>
      tpu.enqueue_indirect_dma source(%arg13 : memref<16x2048xf32, #tpu.memory_space<vmem>>) target(%dma_start3A_255 : memref<6144x2048xf32, #tpu.memory_space<hbm>>) offsets(%dma_start3A_252 : memref<16xi32, #tpu.memory_space<vmem>>) semaphore(%run_scoped3A_250 : memref<!tpu.dma_semaphore, #tpu.memory_space<semaphore_mem>>)
      %dma_wait3A_256 = tpu.memref_slice %arg12[%run_scoped3A_196, %add3A_195] : memref<1x2048xi32, #tpu.memory_space<vmem>> -> memref<1x16xi32, #tpu.memory_space<vmem>>
      %dma_wait3A_257 = tpu.memref_squeeze %dma_wait3A_256 : memref<1x16xi32, #tpu.memory_space<vmem>> -> memref<16xi32, #tpu.memory_space<vmem>>
      %dma_wait3A_258 = arith.constant 0 : i32
      %dma_wait3A_259 = arith.constant 0 : i32
      %dma_wait3A_260 = tpu.memref_slice %arg8[%dma_wait3A_258, %dma_wait3A_259] : memref<6144x2048xf32, #tpu.memory_space<hbm>> -> memref<6144x2048xf32, #tpu.memory_space<hbm>>
      tpu.wait_indirect_dma semaphore(%run_scoped3A_250 : memref<!tpu.dma_semaphore, #tpu.memory_space<semaphore_mem>>) src(%arg13 : memref<16x2048xf32, #tpu.memory_space<vmem>>) dst(%dma_wait3A_260 : memref<6144x2048xf32, #tpu.memory_space<hbm>>)
      tpu.yield
    }) : () -> ()
    %dma_wait3A_197 = arith.constant 0 : i32
    %dma_wait3A_198 = tpu.memref_slice %arg11[%dma_wait3A_197, %add3A_185] : memref<1x2048xi32, #tpu.memory_space<vmem>> -> memref<1x16xi32, #tpu.memory_space<vmem>>
    %dma_wait3A_199 = tpu.memref_squeeze %dma_wait3A_198 : memref<1x16xi32, #tpu.memory_space<vmem>> -> memref<16xi32, #tpu.memory_space<vmem>>
    %dma_wait3A_200 = arith.constant 0 : i32
    %dma_wait3A_201 = arith.constant 0 : i32
    %dma_wait3A_202 = tpu.memref_slice %arg3[%dma_wait3A_200, %dma_wait3A_201] : memref<4096x2048xf32, #tpu.memory_space<hbm>> -> memref<4096x2048xf32, #tpu.memory_space<hbm>>
    tpu.wait_indirect_dma semaphore(%arg16 : memref<!tpu.dma_semaphore, #tpu.memory_space<semaphore_mem>>) src(%dma_wait3A_202 : memref<4096x2048xf32, #tpu.memory_space<hbm>>) dst(%arg14 : memref<16x2048xf32, #tpu.memory_space<vmem>>)
    %mul3A_203 = arith.constant 64 : i32
    %mul3A_204 = arith.muli %add3A, %mul3A_203 : i32
    %add3A_205 = arith.constant 32 : i32
    %add3A_206 = arith.addi %mul3A_204, %add3A_205 : i32
    %dma_start3A_207 = arith.constant 0 : i32
    %dma_start3A_208 = tpu.memref_slice %arg11[%dma_start3A_207, %add3A_206] : memref<1x2048xi32, #tpu.memory_space<vmem>> -> memref<1x16xi32, #tpu.memory_space<vmem>>
    %dma_start3A_209 = tpu.memref_squeeze %dma_start3A_208 : memref<1x16xi32, #tpu.memory_space<vmem>> -> memref<16xi32, #tpu.memory_space<vmem>>
    %dma_start3A_210 = arith.constant 0 : i32
    %dma_start3A_211 = arith.constant 0 : i32
    %dma_start3A_212 = tpu.memref_slice %arg3[%dma_start3A_210, %dma_start3A_211] : memref<4096x2048xf32, #tpu.memory_space<hbm>> -> memref<4096x2048xf32, #tpu.memory_space<hbm>>
    tpu.enqueue_indirect_dma source(%dma_start3A_212 : memref<4096x2048xf32, #tpu.memory_space<hbm>>) target(%arg13 : memref<16x2048xf32, #tpu.memory_space<vmem>>) offsets(%dma_start3A_209 : memref<16xi32, #tpu.memory_space<vmem>>) semaphore(%arg15 : memref<!tpu.dma_semaphore, #tpu.memory_space<semaphore_mem>>)
    %mul3A_213 = arith.constant 64 : i32
    %mul3A_214 = arith.muli %add3A, %mul3A_213 : i32
    %add3A_215 = arith.constant 16 : i32
    %add3A_216 = arith.addi %mul3A_214, %add3A_215 : i32
    %run_scoped3A_217 = arith.constant 0 : i32
    "tpu.region"() ({
      %run_scoped3A_250 = tpu.sem_alloc : memref<!tpu.dma_semaphore, #tpu.memory_space<semaphore_mem>>
      %dma_start3A_251 = tpu.memref_slice %arg12[%run_scoped3A_217, %add3A_216] : memref<1x2048xi32, #tpu.memory_space<vmem>> -> memref<1x16xi32, #tpu.memory_space<vmem>>
      %dma_start3A_252 = tpu.memref_squeeze %dma_start3A_251 : memref<1x16xi32, #tpu.memory_space<vmem>> -> memref<16xi32, #tpu.memory_space<vmem>>
      %dma_start3A_253 = arith.constant 0 : i32
      %dma_start3A_254 = arith.constant 0 : i32
      %dma_start3A_255 = tpu.memref_slice %arg8[%dma_start3A_253, %dma_start3A_254] : memref<6144x2048xf32, #tpu.memory_space<hbm>> -> memref<6144x2048xf32, #tpu.memory_space<hbm>>
      tpu.enqueue_indirect_dma source(%arg14 : memref<16x2048xf32, #tpu.memory_space<vmem>>) target(%dma_start3A_255 : memref<6144x2048xf32, #tpu.memory_space<hbm>>) offsets(%dma_start3A_252 : memref<16xi32, #tpu.memory_space<vmem>>) semaphore(%run_scoped3A_250 : memref<!tpu.dma_semaphore, #tpu.memory_space<semaphore_mem>>)
      %dma_wait3A_256 = tpu.memref_slice %arg12[%run_scoped3A_217, %add3A_216] : memref<1x2048xi32, #tpu.memory_space<vmem>> -> memref<1x16xi32, #tpu.memory_space<vmem>>
      %dma_wait3A_257 = tpu.memref_squeeze %dma_wait3A_256 : memref<1x16xi32, #tpu.memory_space<vmem>> -> memref<16xi32, #tpu.memory_space<vmem>>
      %dma_wait3A_258 = arith.constant 0 : i32
      %dma_wait3A_259 = arith.constant 0 : i32
      %dma_wait3A_260 = tpu.memref_slice %arg8[%dma_wait3A_258, %dma_wait3A_259] : memref<6144x2048xf32, #tpu.memory_space<hbm>> -> memref<6144x2048xf32, #tpu.memory_space<hbm>>
      tpu.wait_indirect_dma semaphore(%run_scoped3A_250 : memref<!tpu.dma_semaphore, #tpu.memory_space<semaphore_mem>>) src(%arg14 : memref<16x2048xf32, #tpu.memory_space<vmem>>) dst(%dma_wait3A_260 : memref<6144x2048xf32, #tpu.memory_space<hbm>>)
      tpu.yield
    }) : () -> ()
    %dma_wait3A_218 = arith.constant 0 : i32
    %dma_wait3A_219 = tpu.memref_slice %arg11[%dma_wait3A_218, %add3A_206] : memref<1x2048xi32, #tpu.memory_space<vmem>> -> memref<1x16xi32, #tpu.memory_space<vmem>>
    %dma_wait3A_220 = tpu.memref_squeeze %dma_wait3A_219 : memref<1x16xi32, #tpu.memory_space<vmem>> -> memref<16xi32, #tpu.memory_space<vmem>>
    %dma_wait3A_221 = arith.constant 0 : i32
    %dma_wait3A_222 = arith.constant 0 : i32
    %dma_wait3A_223 = tpu.memref_slice %arg3[%dma_wait3A_221, %dma_wait3A_222] : memref<4096x2048xf32, #tpu.memory_space<hbm>> -> memref<4096x2048xf32, #tpu.memory_space<hbm>>
    tpu.wait_indirect_dma semaphore(%arg15 : memref<!tpu.dma_semaphore, #tpu.memory_space<semaphore_mem>>) src(%dma_wait3A_223 : memref<4096x2048xf32, #tpu.memory_space<hbm>>) dst(%arg13 : memref<16x2048xf32, #tpu.memory_space<vmem>>)
    %mul3A_224 = arith.constant 64 : i32
    %mul3A_225 = arith.muli %add3A, %mul3A_224 : i32
    %add3A_226 = arith.constant 48 : i32
    %add3A_227 = arith.addi %mul3A_225, %add3A_226 : i32
    %dma_start3A_228 = arith.constant 0 : i32
    %dma_start3A_229 = tpu.memref_slice %arg11[%dma_start3A_228, %add3A_227] : memref<1x2048xi32, #tpu.memory_space<vmem>> -> memref<1x16xi32, #tpu.memory_space<vmem>>
    %dma_start3A_230 = tpu.memref_squeeze %dma_start3A_229 : memref<1x16xi32, #tpu.memory_space<vmem>> -> memref<16xi32, #tpu.memory_space<vmem>>
    %dma_start3A_231 = arith.constant 0 : i32
    %dma_start3A_232 = arith.constant 0 : i32
    %dma_start3A_233 = tpu.memref_slice %arg3[%dma_start3A_231, %dma_start3A_232] : memref<4096x2048xf32, #tpu.memory_space<hbm>> -> memref<4096x2048xf32, #tpu.memory_space<hbm>>
    tpu.enqueue_indirect_dma source(%dma_start3A_233 : memref<4096x2048xf32, #tpu.memory_space<hbm>>) target(%arg14 : memref<16x2048xf32, #tpu.memory_space<vmem>>) offsets(%dma_start3A_230 : memref<16xi32, #tpu.memory_space<vmem>>) semaphore(%arg16 : memref<!tpu.dma_semaphore, #tpu.memory_space<semaphore_mem>>)
    %mul3A_234 = arith.constant 64 : i32
    %mul3A_235 = arith.muli %add3A, %mul3A_234 : i32
    %add3A_236 = arith.constant 32 : i32
    %add3A_237 = arith.addi %mul3A_235, %add3A_236 : i32
    %run_scoped3A_238 = arith.constant 0 : i32
    "tpu.region"() ({
      %run_scoped3A_250 = tpu.sem_alloc : memref<!tpu.dma_semaphore, #tpu.memory_space<semaphore_mem>>
      %dma_start3A_251 = tpu.memref_slice %arg12[%run_scoped3A_238, %add3A_237] : memref<1x2048xi32, #tpu.memory_space<vmem>> -> memref<1x16xi32, #tpu.memory_space<vmem>>
      %dma_start3A_252 = tpu.memref_squeeze %dma_start3A_251 : memref<1x16xi32, #tpu.memory_space<vmem>> -> memref<16xi32, #tpu.memory_space<vmem>>
      %dma_start3A_253 = arith.constant 0 : i32
      %dma_start3A_254 = arith.constant 0 : i32
      %dma_start3A_255 = tpu.memref_slice %arg8[%dma_start3A_253, %dma_start3A_254] : memref<6144x2048xf32, #tpu.memory_space<hbm>> -> memref<6144x2048xf32, #tpu.memory_space<hbm>>
      tpu.enqueue_indirect_dma source(%arg13 : memref<16x2048xf32, #tpu.memory_space<vmem>>) target(%dma_start3A_255 : memref<6144x2048xf32, #tpu.memory_space<hbm>>) offsets(%dma_start3A_252 : memref<16xi32, #tpu.memory_space<vmem>>) semaphore(%run_scoped3A_250 : memref<!tpu.dma_semaphore, #tpu.memory_space<semaphore_mem>>)
      %dma_wait3A_256 = tpu.memref_slice %arg12[%run_scoped3A_238, %add3A_237] : memref<1x2048xi32, #tpu.memory_space<vmem>> -> memref<1x16xi32, #tpu.memory_space<vmem>>
      %dma_wait3A_257 = tpu.memref_squeeze %dma_wait3A_256 : memref<1x16xi32, #tpu.memory_space<vmem>> -> memref<16xi32, #tpu.memory_space<vmem>>
      %dma_wait3A_258 = arith.constant 0 : i32
      %dma_wait3A_259 = arith.constant 0 : i32
      %dma_wait3A_260 = tpu.memref_slice %arg8[%dma_wait3A_258, %dma_wait3A_259] : memref<6144x2048xf32, #tpu.memory_space<hbm>> -> memref<6144x2048xf32, #tpu.memory_space<hbm>>
      tpu.wait_indirect_dma semaphore(%run_scoped3A_250 : memref<!tpu.dma_semaphore, #tpu.memory_space<semaphore_mem>>) src(%arg13 : memref<16x2048xf32, #tpu.memory_space<vmem>>) dst(%dma_wait3A_260 : memref<6144x2048xf32, #tpu.memory_space<hbm>>)
      tpu.yield
    }) : () -> ()
    %dma_wait3A_239 = arith.constant 0 : i32
    %dma_wait3A_240 = tpu.memref_slice %arg11[%dma_wait3A_239, %add3A_227] : memref<1x2048xi32, #tpu.memory_space<vmem>> -> memref<1x16xi32, #tpu.memory_space<vmem>>
    %dma_wait3A_241 = tpu.memref_squeeze %dma_wait3A_240 : memref<1x16xi32, #tpu.memory_space<vmem>> -> memref<16xi32, #tpu.memory_space<vmem>>
    %dma_wait3A_242 = arith.constant 0 : i32
    %dma_wait3A_243 = arith.constant 0 : i32
    %dma_wait3A_244 = tpu.memref_slice %arg3[%dma_wait3A_242, %dma_wait3A_243] : memref<4096x2048xf32, #tpu.memory_space<hbm>> -> memref<4096x2048xf32, #tpu.memory_space<hbm>>
    tpu.wait_indirect_dma semaphore(%arg16 : memref<!tpu.dma_semaphore, #tpu.memory_space<semaphore_mem>>) src(%dma_wait3A_244 : memref<4096x2048xf32, #tpu.memory_space<hbm>>) dst(%arg14 : memref<16x2048xf32, #tpu.memory_space<vmem>>)
    %mul3A_245 = arith.constant 64 : i32
    %mul3A_246 = arith.muli %add3A, %mul3A_245 : i32
    %add3A_247 = arith.constant 48 : i32
    %add3A_248 = arith.addi %mul3A_246, %add3A_247 : i32
    %run_scoped3A_249 = arith.constant 0 : i32
    "tpu.region"() ({
      %run_scoped3A_250 = tpu.sem_alloc : memref<!tpu.dma_semaphore, #tpu.memory_space<semaphore_mem>>
      %dma_start3A_251 = tpu.memref_slice %arg12[%run_scoped3A_249, %add3A_248] : memref<1x2048xi32, #tpu.memory_space<vmem>> -> memref<1x16xi32, #tpu.memory_space<vmem>>
      %dma_start3A_252 = tpu.memref_squeeze %dma_start3A_251 : memref<1x16xi32, #tpu.memory_space<vmem>> -> memref<16xi32, #tpu.memory_space<vmem>>
      %dma_start3A_253 = arith.constant 0 : i32
      %dma_start3A_254 = arith.constant 0 : i32
      %dma_start3A_255 = tpu.memref_slice %arg8[%dma_start3A_253, %dma_start3A_254] : memref<6144x2048xf32, #tpu.memory_space<hbm>> -> memref<6144x2048xf32, #tpu.memory_space<hbm>>
      tpu.enqueue_indirect_dma source(%arg14 : memref<16x2048xf32, #tpu.memory_space<vmem>>) target(%dma_start3A_255 : memref<6144x2048xf32, #tpu.memory_space<hbm>>) offsets(%dma_start3A_252 : memref<16xi32, #tpu.memory_space<vmem>>) semaphore(%run_scoped3A_250 : memref<!tpu.dma_semaphore, #tpu.memory_space<semaphore_mem>>)
      %dma_wait3A_256 = tpu.memref_slice %arg12[%run_scoped3A_249, %add3A_248] : memref<1x2048xi32, #tpu.memory_space<vmem>> -> memref<1x16xi32, #tpu.memory_space<vmem>>
      %dma_wait3A_257 = tpu.memref_squeeze %dma_wait3A_256 : memref<1x16xi32, #tpu.memory_space<vmem>> -> memref<16xi32, #tpu.memory_space<vmem>>
      %dma_wait3A_258 = arith.constant 0 : i32
      %dma_wait3A_259 = arith.constant 0 : i32
      %dma_wait3A_260 = tpu.memref_slice %arg8[%dma_wait3A_258, %dma_wait3A_259] : memref<6144x2048xf32, #tpu.memory_space<hbm>> -> memref<6144x2048xf32, #tpu.memory_space<hbm>>
      tpu.wait_indirect_dma semaphore(%run_scoped3A_250 : memref<!tpu.dma_semaphore, #tpu.memory_space<semaphore_mem>>) src(%arg14 : memref<16x2048xf32, #tpu.memory_space<vmem>>) dst(%dma_wait3A_260 : memref<6144x2048xf32, #tpu.memory_space<hbm>>)
      tpu.yield
    }) : () -> ()
    return
  }
}

module attributes {stable_mosaic.version = 14 : i64} {
  func.func @_ab_kernel(%arg0: i32, %arg1: i32, %arg2: memref<1x2x512x128xf32, #tpu.memory_space<vmem>>, %arg3: memref<1x1x2048x128xf32, #tpu.memory_space<vmem>>, %arg4: memref<1x1x1024xi32, #tpu.memory_space<vmem>>, %arg5: memref<1x1x1024xi32, #tpu.memory_space<vmem>>, %arg6: memref<1x1x1024xi32, #tpu.memory_space<vmem>>, %arg7: memref<1x1x1024xi32, #tpu.memory_space<vmem>>, %arg8: memref<1x2048xf32, #tpu.memory_space<vmem>>) attributes {dimension_semantics = [#tpu.dimension_semantics<arbitrary>, #tpu.dimension_semantics<arbitrary>], iteration_bounds = array<i64: 2, 8>, scalar_prefetch = 0 : i64, scratch_operands = 1 : i64, tpu.core_type = #tpu.core_type<tc>, window_params = [{transform_indices = @transform_0, window_bounds = array<i64: 1, 2, 512, 128>}, {transform_indices = @transform_1, window_bounds = array<i64: 1, 1, 2048, 128>}, {transform_indices = @transform_2, window_bounds = array<i64: 1, 1, 1024>}, {transform_indices = @transform_3, window_bounds = array<i64: 1, 1, 1024>}, {transform_indices = @transform_4, window_bounds = array<i64: 1, 1, 1024>}, {transform_indices = @transform_5, window_bounds = array<i64: 1, 1, 1024>}]} {
    %get3A = arith.constant 0 : index
    %get3A_0 = arith.constant 0 : index
    %get3A_1 = arith.constant 0 : index
    %get3A_2 = arith.constant 0 : index
    %get3A_3 = vector.load %arg2[%get3A, %get3A_0, %get3A_1, %get3A_2] : memref<1x2x512x128xf32, #tpu.memory_space<vmem>>, vector<1x2x512x128xf32>
    %get3A_4 = vector.shape_cast %get3A_3 : vector<1x2x512x128xf32> to vector<2x512x128xf32>
    %reshape3A = vector.shape_cast %get3A_4 : vector<2x512x128xf32> to vector<1024x128xf32>
    %get3A_5 = arith.constant 0 : index
    %get3A_6 = arith.constant 0 : index
    %get3A_7 = arith.constant 0 : index
    %get3A_8 = arith.constant 0 : index
    %get3A_9 = vector.load %arg3[%get3A_5, %get3A_6, %get3A_7, %get3A_8] : memref<1x1x2048x128xf32, #tpu.memory_space<vmem>>, vector<1x1x2048x128xf32>
    %get3A_10 = vector.shape_cast %get3A_9 : vector<1x1x2048x128xf32> to vector<2048x128xf32>
    %dot_general3A = arith.constant dense<0.000000e+00> : vector<1024x2048xf32>
    %dot_general3A_11 = tpu.matmul %reshape3A, %get3A_10, %dot_general3A {dimension_numbers = #tpu.dot_dimension_numbers<[1], [1], [0], [0], [0, 0, 1, 0], [], []>, transpose_lhs_hint = false} : vector<1024x128xf32>, vector<2048x128xf32>, vector<1024x2048xf32> -> vector<1024x2048xf32>
    %mul3A = arith.constant 0.0883883461 : f32
    %mul3A_12 = vector.broadcast %mul3A : f32 to vector<1024x2048xf32>
    %mul3A_13 = arith.mulf %dot_general3A_11, %mul3A_12 : vector<1024x2048xf32>
    %exp3A = math.exp %mul3A_13 : vector<1024x2048xf32>
    %reduce_sum3A = arith.constant dense<0.000000e+00> : vector<1024xf32>
    %reduce_sum3A_14 = vector.multi_reduction <add>, %exp3A, %reduce_sum3A [1] : vector<1024x2048xf32> to vector<1024xf32>
    %broadcast_in_dim3A = vector.shape_cast %reduce_sum3A_14 : vector<1024xf32> to vector<1024x1xf32>
    %div3A = arith.constant 1.000000e+00 : f32
    %div3A_15 = vector.broadcast %div3A : f32 to vector<1024x1xf32>
    %div3A_16 = arith.divf %div3A_15, %broadcast_in_dim3A : vector<1024x1xf32>
    %mul3A_17 = arith.constant 6.250000e-02 : f32
    %mul3A_18 = vector.broadcast %mul3A_17 : f32 to vector<1024x1xf32>
    %mul3A_19 = arith.mulf %div3A_16, %mul3A_18 : vector<1024x1xf32>
    %mul3A_20 = vector.broadcast %mul3A_19 : vector<1024x1xf32> to vector<1024x2048xf32>
    %mul3A_21 = arith.mulf %exp3A, %mul3A_20 : vector<1024x2048xf32>
    %reduce_sum3A_22 = arith.constant dense<0.000000e+00> : vector<2048xf32>
    %reduce_sum3A_23 = vector.multi_reduction <add>, %mul3A_21, %reduce_sum3A_22 [0] : vector<1024x2048xf32> to vector<2048xf32>
    %broadcast_in_dim3A_24 = vector.shape_cast %reduce_sum3A_23 : vector<2048xf32> to vector<1x2048xf32>
    %eq3A = arith.constant 0 : i32
    %eq3A_25 = arith.cmpi eq, %arg1, %eq3A : i32
    %convert_element_type3A = arith.extui %eq3A_25 : i1 to i32
    %cond3A = arith.constant 0 : i32
    %cond3A_26 = arith.cmpi ne, %convert_element_type3A, %cond3A : i32
    scf.if %cond3A_26 {
      %swap3A = arith.constant 0 : index
      %swap3A_36 = arith.constant 0 : index
      %swap3A_37 = vector.load %arg8[%swap3A, %swap3A_36] : memref<1x2048xf32, #tpu.memory_space<vmem>>, vector<1x2048xf32>
      tpu.vector_store %arg8[%swap3A, %swap3A_36], %broadcast_in_dim3A_24 {strides = array<i32>} : memref<1x2048xf32, #tpu.memory_space<vmem>>, vector<1x2048xf32>,
    } else {
    }
    %gt3A = arith.constant 0 : i32
    %gt3A_27 = arith.cmpi sgt, %arg1, %gt3A : i32
    %convert_element_type3A_28 = arith.extui %gt3A_27 : i1 to i32
    %cond3A_29 = arith.constant 0 : i32
    %cond3A_30 = arith.cmpi ne, %convert_element_type3A_28, %cond3A_29 : i32
    scf.if %cond3A_30 {
      %get3A_36 = arith.constant 0 : index
      %get3A_37 = arith.constant 0 : index
      %get3A_38 = vector.load %arg8[%get3A_36, %get3A_37] : memref<1x2048xf32, #tpu.memory_space<vmem>>, vector<1x2048xf32>
      %add3A = arith.addf %get3A_38, %broadcast_in_dim3A_24 : vector<1x2048xf32>
      %swap3A = arith.constant 0 : index
      %swap3A_39 = arith.constant 0 : index
      %swap3A_40 = vector.load %arg8[%swap3A, %swap3A_39] : memref<1x2048xf32, #tpu.memory_space<vmem>>, vector<1x2048xf32>
      tpu.vector_store %arg8[%swap3A, %swap3A_39], %add3A {strides = array<i32>} : memref<1x2048xf32, #tpu.memory_space<vmem>>, vector<1x2048xf32>,
    } else {
    }
    %eq3A_31 = arith.constant 7 : i32
    %eq3A_32 = arith.cmpi eq, %arg1, %eq3A_31 : i32
    %convert_element_type3A_33 = arith.extui %eq3A_32 : i1 to i32
    %cond3A_34 = arith.constant 0 : i32
    %cond3A_35 = arith.cmpi ne, %convert_element_type3A_33, %cond3A_34 : i32
    scf.if %cond3A_35 {
      %get3A_36 = arith.constant 0 : index
      %get3A_37 = arith.constant 0 : index
      %get3A_38 = vector.load %arg8[%get3A_36, %get3A_37] : memref<1x2048xf32, #tpu.memory_space<vmem>>, vector<1x2048xf32>
      %reshape3A_39 = vector.shape_cast %get3A_38 : vector<1x2048xf32> to vector<2048x1xf32>
      %iota3A = tpu.iota {dimensions = array<i32: 0>} : vector<2048x512xi32>
      %slice3A = vector.extract_strided_slice %get3A_38 {offsets = [0, 0], sizes = [1, 512], strides = [1, 1]} : vector<1x2048xf32> to vector<1x512xf32>
      %iota3A_40 = tpu.iota {dimensions = array<i32: 1>} : vector<2048x512xi32>
      %add3A = arith.constant 0 : i32
      %add3A_41 = vector.broadcast %add3A : i32 to vector<2048x512xi32>
      %add3A_42 = arith.addi %iota3A_40, %add3A_41 : vector<2048x512xi32>
      %gt3A_43 = vector.broadcast %reshape3A_39 : vector<2048x1xf32> to vector<2048x512xf32>
      %gt3A_44 = vector.broadcast %slice3A : vector<1x512xf32> to vector<2048x512xf32>
      %gt3A_45 = arith.cmpf ogt, %gt3A_43, %gt3A_44 : vector<2048x512xf32>
      %eq3A_46 = vector.broadcast %reshape3A_39 : vector<2048x1xf32> to vector<2048x512xf32>
      %eq3A_47 = vector.broadcast %slice3A : vector<1x512xf32> to vector<2048x512xf32>
      %eq3A_48 = arith.cmpf oeq, %eq3A_46, %eq3A_47 : vector<2048x512xf32>
      %lt3A = arith.cmpi slt, %iota3A, %add3A_42 : vector<2048x512xi32>
      %and3A = arith.andi %eq3A_48, %lt3A : vector<2048x512xi1>
      %or3A = arith.ori %gt3A_45, %and3A : vector<2048x512xi1>
      %convert_element_type3A_49 = arith.extui %or3A : vector<2048x512xi1> to vector<2048x512xi32>
      %reduce_sum3A_50 = arith.constant dense<0> : vector<512xi32>
      %reduce_sum3A_51 = vector.multi_reduction <add>, %convert_element_type3A_49, %reduce_sum3A_50 [0] : vector<2048x512xi32> to vector<512xi32>
      %broadcast_in_dim3A_52 = vector.shape_cast %reduce_sum3A_51 : vector<512xi32> to vector<1x512xi32>
      %slice3A_53 = vector.extract_strided_slice %get3A_38 {offsets = [0, 512], sizes = [1, 512], strides = [1, 1]} : vector<1x2048xf32> to vector<1x512xf32>
      %iota3A_54 = tpu.iota {dimensions = array<i32: 1>} : vector<2048x512xi32>
      %add3A_55 = arith.constant 512 : i32
      %add3A_56 = vector.broadcast %add3A_55 : i32 to vector<2048x512xi32>
      %add3A_57 = arith.addi %iota3A_54, %add3A_56 : vector<2048x512xi32>
      %gt3A_58 = vector.broadcast %reshape3A_39 : vector<2048x1xf32> to vector<2048x512xf32>
      %gt3A_59 = vector.broadcast %slice3A_53 : vector<1x512xf32> to vector<2048x512xf32>
      %gt3A_60 = arith.cmpf ogt, %gt3A_58, %gt3A_59 : vector<2048x512xf32>
      %eq3A_61 = vector.broadcast %reshape3A_39 : vector<2048x1xf32> to vector<2048x512xf32>
      %eq3A_62 = vector.broadcast %slice3A_53 : vector<1x512xf32> to vector<2048x512xf32>
      %eq3A_63 = arith.cmpf oeq, %eq3A_61, %eq3A_62 : vector<2048x512xf32>
      %lt3A_64 = arith.cmpi slt, %iota3A, %add3A_57 : vector<2048x512xi32>
      %and3A_65 = arith.andi %eq3A_63, %lt3A_64 : vector<2048x512xi1>
      %or3A_66 = arith.ori %gt3A_60, %and3A_65 : vector<2048x512xi1>
      %convert_element_type3A_67 = arith.extui %or3A_66 : vector<2048x512xi1> to vector<2048x512xi32>
      %reduce_sum3A_68 = arith.constant dense<0> : vector<512xi32>
      %reduce_sum3A_69 = vector.multi_reduction <add>, %convert_element_type3A_67, %reduce_sum3A_68 [0] : vector<2048x512xi32> to vector<512xi32>
      %broadcast_in_dim3A_70 = vector.shape_cast %reduce_sum3A_69 : vector<512xi32> to vector<1x512xi32>
      %slice3A_71 = vector.extract_strided_slice %get3A_38 {offsets = [0, 1024], sizes = [1, 512], strides = [1, 1]} : vector<1x2048xf32> to vector<1x512xf32>
      %iota3A_72 = tpu.iota {dimensions = array<i32: 1>} : vector<2048x512xi32>
      %add3A_73 = arith.constant 1024 : i32
      %add3A_74 = vector.broadcast %add3A_73 : i32 to vector<2048x512xi32>
      %add3A_75 = arith.addi %iota3A_72, %add3A_74 : vector<2048x512xi32>
      %gt3A_76 = vector.broadcast %reshape3A_39 : vector<2048x1xf32> to vector<2048x512xf32>
      %gt3A_77 = vector.broadcast %slice3A_71 : vector<1x512xf32> to vector<2048x512xf32>
      %gt3A_78 = arith.cmpf ogt, %gt3A_76, %gt3A_77 : vector<2048x512xf32>
      %eq3A_79 = vector.broadcast %reshape3A_39 : vector<2048x1xf32> to vector<2048x512xf32>
      %eq3A_80 = vector.broadcast %slice3A_71 : vector<1x512xf32> to vector<2048x512xf32>
      %eq3A_81 = arith.cmpf oeq, %eq3A_79, %eq3A_80 : vector<2048x512xf32>
      %lt3A_82 = arith.cmpi slt, %iota3A, %add3A_75 : vector<2048x512xi32>
      %and3A_83 = arith.andi %eq3A_81, %lt3A_82 : vector<2048x512xi1>
      %or3A_84 = arith.ori %gt3A_78, %and3A_83 : vector<2048x512xi1>
      %convert_element_type3A_85 = arith.extui %or3A_84 : vector<2048x512xi1> to vector<2048x512xi32>
      %reduce_sum3A_86 = arith.constant dense<0> : vector<512xi32>
      %reduce_sum3A_87 = vector.multi_reduction <add>, %convert_element_type3A_85, %reduce_sum3A_86 [0] : vector<2048x512xi32> to vector<512xi32>
      %broadcast_in_dim3A_88 = vector.shape_cast %reduce_sum3A_87 : vector<512xi32> to vector<1x512xi32>
      %slice3A_89 = vector.extract_strided_slice %get3A_38 {offsets = [0, 1536], sizes = [1, 512], strides = [1, 1]} : vector<1x2048xf32> to vector<1x512xf32>
      %iota3A_90 = tpu.iota {dimensions = array<i32: 1>} : vector<2048x512xi32>
      %add3A_91 = arith.constant 1536 : i32
      %add3A_92 = vector.broadcast %add3A_91 : i32 to vector<2048x512xi32>
      %add3A_93 = arith.addi %iota3A_90, %add3A_92 : vector<2048x512xi32>
      %gt3A_94 = vector.broadcast %reshape3A_39 : vector<2048x1xf32> to vector<2048x512xf32>
      %gt3A_95 = vector.broadcast %slice3A_89 : vector<1x512xf32> to vector<2048x512xf32>
      %gt3A_96 = arith.cmpf ogt, %gt3A_94, %gt3A_95 : vector<2048x512xf32>
      %eq3A_97 = vector.broadcast %reshape3A_39 : vector<2048x1xf32> to vector<2048x512xf32>
      %eq3A_98 = vector.broadcast %slice3A_89 : vector<1x512xf32> to vector<2048x512xf32>
      %eq3A_99 = arith.cmpf oeq, %eq3A_97, %eq3A_98 : vector<2048x512xf32>
      %lt3A_100 = arith.cmpi slt, %iota3A, %add3A_93 : vector<2048x512xi32>
      %and3A_101 = arith.andi %eq3A_99, %lt3A_100 : vector<2048x512xi1>
      %or3A_102 = arith.ori %gt3A_96, %and3A_101 : vector<2048x512xi1>
      %convert_element_type3A_103 = arith.extui %or3A_102 : vector<2048x512xi1> to vector<2048x512xi32>
      %reduce_sum3A_104 = arith.constant dense<0> : vector<512xi32>
      %reduce_sum3A_105 = vector.multi_reduction <add>, %convert_element_type3A_103, %reduce_sum3A_104 [0] : vector<2048x512xi32> to vector<512xi32>
      %broadcast_in_dim3A_106 = vector.shape_cast %reduce_sum3A_105 : vector<512xi32> to vector<1x512xi32>
      %concatenate3A = tpu.concatenate %broadcast_in_dim3A_52, %broadcast_in_dim3A_70, %broadcast_in_dim3A_88, %broadcast_in_dim3A_106 in 1 : vector<1x512xi32>, vector<1x512xi32>, vector<1x512xi32>, vector<1x512xi32> -> vector<1x2048xi32>
      %reshape3A_107 = vector.shape_cast %concatenate3A : vector<1x2048xi32> to vector<2048x1xi32>
      %lt3A_108 = arith.constant 1024 : i32
      %lt3A_109 = vector.broadcast %lt3A_108 : i32 to vector<2048x1xi32>
      %lt3A_110 = arith.cmpi slt, %reshape3A_107, %lt3A_109 : vector<2048x1xi32>
      %convert_element_type3A_111 = arith.extui %lt3A_110 : vector<2048x1xi1> to vector<2048x1xi32>
      %iota3A_112 = tpu.iota {dimensions = array<i32: 1>} : vector<2048x512xi32>
      %add3A_113 = arith.constant 0 : i32
      %add3A_114 = vector.broadcast %add3A_113 : i32 to vector<2048x512xi32>
      %add3A_115 = arith.addi %iota3A_112, %add3A_114 : vector<2048x512xi32>
      %lt3A_116 = arith.cmpi slt, %iota3A, %add3A_115 : vector<2048x512xi32>
      %convert_element_type3A_117 = arith.extui %lt3A_116 : vector<2048x512xi1> to vector<2048x512xi32>
      %mul3A_118 = vector.broadcast %convert_element_type3A_111 : vector<2048x1xi32> to vector<2048x512xi32>
      %mul3A_119 = arith.muli %mul3A_118, %convert_element_type3A_117 : vector<2048x512xi32>
      %reduce_sum3A_120 = arith.constant dense<0> : vector<512xi32>
      %reduce_sum3A_121 = vector.multi_reduction <add>, %mul3A_119, %reduce_sum3A_120 [0] : vector<2048x512xi32> to vector<512xi32>
      %broadcast_in_dim3A_122 = vector.shape_cast %reduce_sum3A_121 : vector<512xi32> to vector<1x512xi32>
      %iota3A_123 = tpu.iota {dimensions = array<i32: 1>} : vector<2048x512xi32>
      %add3A_124 = arith.constant 512 : i32
      %add3A_125 = vector.broadcast %add3A_124 : i32 to vector<2048x512xi32>
      %add3A_126 = arith.addi %iota3A_123, %add3A_125 : vector<2048x512xi32>
      %lt3A_127 = arith.cmpi slt, %iota3A, %add3A_126 : vector<2048x512xi32>
      %convert_element_type3A_128 = arith.extui %lt3A_127 : vector<2048x512xi1> to vector<2048x512xi32>
      %mul3A_129 = vector.broadcast %convert_element_type3A_111 : vector<2048x1xi32> to vector<2048x512xi32>
      %mul3A_130 = arith.muli %mul3A_129, %convert_element_type3A_128 : vector<2048x512xi32>
      %reduce_sum3A_131 = arith.constant dense<0> : vector<512xi32>
      %reduce_sum3A_132 = vector.multi_reduction <add>, %mul3A_130, %reduce_sum3A_131 [0] : vector<2048x512xi32> to vector<512xi32>
      %broadcast_in_dim3A_133 = vector.shape_cast %reduce_sum3A_132 : vector<512xi32> to vector<1x512xi32>
      %iota3A_134 = tpu.iota {dimensions = array<i32: 1>} : vector<2048x512xi32>
      %add3A_135 = arith.constant 1024 : i32
      %add3A_136 = vector.broadcast %add3A_135 : i32 to vector<2048x512xi32>
      %add3A_137 = arith.addi %iota3A_134, %add3A_136 : vector<2048x512xi32>
      %lt3A_138 = arith.cmpi slt, %iota3A, %add3A_137 : vector<2048x512xi32>
      %convert_element_type3A_139 = arith.extui %lt3A_138 : vector<2048x512xi1> to vector<2048x512xi32>
      %mul3A_140 = vector.broadcast %convert_element_type3A_111 : vector<2048x1xi32> to vector<2048x512xi32>
      %mul3A_141 = arith.muli %mul3A_140, %convert_element_type3A_139 : vector<2048x512xi32>
      %reduce_sum3A_142 = arith.constant dense<0> : vector<512xi32>
      %reduce_sum3A_143 = vector.multi_reduction <add>, %mul3A_141, %reduce_sum3A_142 [0] : vector<2048x512xi32> to vector<512xi32>
      %broadcast_in_dim3A_144 = vector.shape_cast %reduce_sum3A_143 : vector<512xi32> to vector<1x512xi32>
      %iota3A_145 = tpu.iota {dimensions = array<i32: 1>} : vector<2048x512xi32>
      %add3A_146 = arith.constant 1536 : i32
      %add3A_147 = vector.broadcast %add3A_146 : i32 to vector<2048x512xi32>
      %add3A_148 = arith.addi %iota3A_145, %add3A_147 : vector<2048x512xi32>
      %lt3A_149 = arith.cmpi slt, %iota3A, %add3A_148 : vector<2048x512xi32>
      %convert_element_type3A_150 = arith.extui %lt3A_149 : vector<2048x512xi1> to vector<2048x512xi32>
      %mul3A_151 = vector.broadcast %convert_element_type3A_111 : vector<2048x1xi32> to vector<2048x512xi32>
      %mul3A_152 = arith.muli %mul3A_151, %convert_element_type3A_150 : vector<2048x512xi32>
      %reduce_sum3A_153 = arith.constant dense<0> : vector<512xi32>
      %reduce_sum3A_154 = vector.multi_reduction <add>, %mul3A_152, %reduce_sum3A_153 [0] : vector<2048x512xi32> to vector<512xi32>
      %broadcast_in_dim3A_155 = vector.shape_cast %reduce_sum3A_154 : vector<512xi32> to vector<1x512xi32>
      %concatenate3A_156 = tpu.concatenate %broadcast_in_dim3A_122, %broadcast_in_dim3A_133, %broadcast_in_dim3A_144, %broadcast_in_dim3A_155 in 1 : vector<1x512xi32>, vector<1x512xi32>, vector<1x512xi32>, vector<1x512xi32> -> vector<1x2048xi32>
      %reshape3A_157 = vector.shape_cast %concatenate3A_156 : vector<1x2048xi32> to vector<2048x1xi32>
      %iota3A_158 = tpu.iota {dimensions = array<i32: 0>} : vector<2048x1xi32>
      %sub3A = arith.subi %iota3A_158, %reshape3A_157 : vector<2048x1xi32>
      %iota3A_159 = tpu.iota {dimensions = array<i32: 1>} : vector<2048x1024xi32>
      %eq3A_160 = vector.broadcast %reshape3A_157 : vector<2048x1xi32> to vector<2048x1024xi32>
      %eq3A_161 = arith.cmpi eq, %eq3A_160, %iota3A_159 : vector<2048x1024xi32>
      %and3A_162 = vector.broadcast %lt3A_110 : vector<2048x1xi1> to vector<2048x1024xi1>
      %and3A_163 = arith.andi %and3A_162, %eq3A_161 : vector<2048x1024xi1>
      %convert_element_type3A_164 = arith.extui %and3A_163 : vector<2048x1024xi1> to vector<2048x1024xi32>
      %not3A = arith.constant dense<true> : vector<2048x1xi1>
      %not3A_165 = arith.xori %lt3A_110, %not3A : vector<2048x1xi1>
      %eq3A_166 = vector.broadcast %sub3A : vector<2048x1xi32> to vector<2048x1024xi32>
      %eq3A_167 = arith.cmpi eq, %eq3A_166, %iota3A_159 : vector<2048x1024xi32>
      %and3A_168 = vector.broadcast %not3A_165 : vector<2048x1xi1> to vector<2048x1024xi1>
      %and3A_169 = arith.andi %and3A_168, %eq3A_167 : vector<2048x1024xi1>
      %convert_element_type3A_170 = arith.extui %and3A_169 : vector<2048x1024xi1> to vector<2048x1024xi32>
      %mul3A_171 = vector.broadcast %iota3A_158 : vector<2048x1xi32> to vector<2048x1024xi32>
      %mul3A_172 = arith.muli %mul3A_171, %convert_element_type3A_164 : vector<2048x1024xi32>
      %reduce_sum3A_173 = arith.constant dense<0> : vector<1024xi32>
      %reduce_sum3A_174 = vector.multi_reduction <add>, %mul3A_172, %reduce_sum3A_173 [0] : vector<2048x1024xi32> to vector<1024xi32>
      %broadcast_in_dim3A_175 = vector.shape_cast %reduce_sum3A_174 : vector<1024xi32> to vector<1x1024xi32>
      %mul3A_176 = vector.broadcast %iota3A_158 : vector<2048x1xi32> to vector<2048x1024xi32>
      %mul3A_177 = arith.muli %mul3A_176, %convert_element_type3A_170 : vector<2048x1024xi32>
      %reduce_sum3A_178 = arith.constant dense<0> : vector<1024xi32>
      %reduce_sum3A_179 = vector.multi_reduction <add>, %mul3A_177, %reduce_sum3A_178 [0] : vector<2048x1024xi32> to vector<1024xi32>
      %broadcast_in_dim3A_180 = vector.shape_cast %reduce_sum3A_179 : vector<1024xi32> to vector<1x1024xi32>
      %iota3A_181 = tpu.iota {dimensions = array<i32: 1>} : vector<1x1024xi32>
      %mul3A_182 = arith.constant 2 : i32
      %mul3A_183 = vector.broadcast %mul3A_182 : i32 to vector<1x1024xi32>
      %mul3A_184 = arith.muli %mul3A_183, %broadcast_in_dim3A_175 : vector<1x1024xi32>
      %mul3A_185 = arith.constant 4096 : i32
      %mul3A_186 = arith.muli %arg0, %mul3A_185 : i32
      %add3A_187 = vector.broadcast %mul3A_186 : i32 to vector<1x1024xi32>
      %add3A_188 = arith.addi %mul3A_184, %add3A_187 : vector<1x1024xi32>
      %swap3A = arith.constant 0 : index
      %swap3A_189 = arith.constant 0 : index
      %swap3A_190 = arith.constant 0 : index
      %swap3A_191 = vector.load %arg4[%swap3A, %swap3A_189, %swap3A_190] : memref<1x1x1024xi32, #tpu.memory_space<vmem>>, vector<1x1x1024xi32>
      %swap3A_192 = vector.shape_cast %swap3A_191 : vector<1x1x1024xi32> to vector<1x1024xi32>
      %swap3A_193 = vector.shape_cast %add3A_188 : vector<1x1024xi32> to vector<1x1x1024xi32>
      tpu.vector_store %arg4[%swap3A, %swap3A_189, %swap3A_190], %swap3A_193 {strides = array<i32>} : memref<1x1x1024xi32, #tpu.memory_space<vmem>>, vector<1x1x1024xi32>,
      %add3A_194 = arith.addi %broadcast_in_dim3A_175, %iota3A_181 : vector<1x1024xi32>
      %mul3A_195 = arith.constant 3072 : i32
      %mul3A_196 = arith.muli %arg0, %mul3A_195 : i32
      %add3A_197 = vector.broadcast %mul3A_196 : i32 to vector<1x1024xi32>
      %add3A_198 = arith.addi %add3A_194, %add3A_197 : vector<1x1024xi32>
      %swap3A_199 = arith.constant 0 : index
      %swap3A_200 = arith.constant 0 : index
      %swap3A_201 = arith.constant 0 : index
      %swap3A_202 = vector.load %arg5[%swap3A_199, %swap3A_200, %swap3A_201] : memref<1x1x1024xi32, #tpu.memory_space<vmem>>, vector<1x1x1024xi32>
      %swap3A_203 = vector.shape_cast %swap3A_202 : vector<1x1x1024xi32> to vector<1x1024xi32>
      %swap3A_204 = vector.shape_cast %add3A_198 : vector<1x1024xi32> to vector<1x1x1024xi32>
      tpu.vector_store %arg5[%swap3A_199, %swap3A_200, %swap3A_201], %swap3A_204 {strides = array<i32>} : memref<1x1x1024xi32, #tpu.memory_space<vmem>>, vector<1x1x1024xi32>,
      %mul3A_205 = arith.constant 2048 : i32
      %mul3A_206 = arith.muli %arg0, %mul3A_205 : i32
      %add3A_207 = vector.broadcast %mul3A_206 : i32 to vector<1x1024xi32>
      %add3A_208 = arith.addi %broadcast_in_dim3A_180, %add3A_207 : vector<1x1024xi32>
      %swap3A_209 = arith.constant 0 : index
      %swap3A_210 = arith.constant 0 : index
      %swap3A_211 = arith.constant 0 : index
      %swap3A_212 = vector.load %arg6[%swap3A_209, %swap3A_210, %swap3A_211] : memref<1x1x1024xi32, #tpu.memory_space<vmem>>, vector<1x1x1024xi32>
      %swap3A_213 = vector.shape_cast %swap3A_212 : vector<1x1x1024xi32> to vector<1x1024xi32>
      %swap3A_214 = vector.shape_cast %add3A_208 : vector<1x1024xi32> to vector<1x1x1024xi32>
      tpu.vector_store %arg6[%swap3A_209, %swap3A_210, %swap3A_211], %swap3A_214 {strides = array<i32>} : memref<1x1x1024xi32, #tpu.memory_space<vmem>>, vector<1x1x1024xi32>,
      %mul3A_215 = arith.constant 2 : i32
      %mul3A_216 = vector.broadcast %mul3A_215 : i32 to vector<1x1024xi32>
      %mul3A_217 = arith.muli %mul3A_216, %broadcast_in_dim3A_180 : vector<1x1024xi32>
      %sub3A_218 = arith.subi %mul3A_217, %iota3A_181 : vector<1x1024xi32>
      %mul3A_219 = arith.constant 3072 : i32
      %mul3A_220 = arith.muli %arg0, %mul3A_219 : i32
      %add3A_221 = vector.broadcast %mul3A_220 : i32 to vector<1x1024xi32>
      %add3A_222 = arith.addi %sub3A_218, %add3A_221 : vector<1x1024xi32>
      %swap3A_223 = arith.constant 0 : index
      %swap3A_224 = arith.constant 0 : index
      %swap3A_225 = arith.constant 0 : index
      %swap3A_226 = vector.load %arg7[%swap3A_223, %swap3A_224, %swap3A_225] : memref<1x1x1024xi32, #tpu.memory_space<vmem>>, vector<1x1x1024xi32>
      %swap3A_227 = vector.shape_cast %swap3A_226 : vector<1x1x1024xi32> to vector<1x1024xi32>
      %swap3A_228 = vector.shape_cast %add3A_222 : vector<1x1024xi32> to vector<1x1x1024xi32>
      tpu.vector_store %arg7[%swap3A_223, %swap3A_224, %swap3A_225], %swap3A_228 {strides = array<i32>} : memref<1x1x1024xi32, #tpu.memory_space<vmem>>, vector<1x1x1024xi32>,
    } else {
    }
    return
  }
  func.func @transform_0(%arg0: i32, %arg1: i32) -> (i32, i32, i32, i32) {
    %c0_i32 = arith.constant 0 : i32
    %c0_i32_0 = arith.constant 0 : i32
    %c0_i32_1 = arith.constant 0 : i32
    return %arg0, %arg1, %c0_i32, %c0_i32_0 : i32, i32, i32, i32
  }
  func.func @transform_1(%arg0: i32, %arg1: i32) -> (i32, i32, i32, i32) {
    %c0_i32 = arith.constant 0 : i32
    %c0_i32_0 = arith.constant 0 : i32
    %c0_i32_1 = arith.constant 0 : i32
    return %arg0, %arg1, %c0_i32, %c0_i32_0 : i32, i32, i32, i32
  }
  func.func @transform_2(%arg0: i32, %arg1: i32) -> (i32, i32, i32) {
    %c0_i32 = arith.constant 0 : i32
    %c0_i32_0 = arith.constant 0 : i32
    %c0_i32_1 = arith.constant 0 : i32
    return %arg0, %c0_i32, %c0_i32_0 : i32, i32, i32
  }
  func.func @transform_3(%arg0: i32, %arg1: i32) -> (i32, i32, i32) {
    %c0_i32 = arith.constant 0 : i32
    %c0_i32_0 = arith.constant 0 : i32
    %c0_i32_1 = arith.constant 0 : i32
    return %arg0, %c0_i32, %c0_i32_0 : i32, i32, i32
  }
  func.func @transform_4(%arg0: i32, %arg1: i32) -> (i32, i32, i32) {
    %c0_i32 = arith.constant 0 : i32
    %c0_i32_0 = arith.constant 0 : i32
    %c0_i32_1 = arith.constant 0 : i32
    return %arg0, %c0_i32, %c0_i32_0 : i32, i32, i32
  }
  func.func @transform_5(%arg0: i32, %arg1: i32) -> (i32, i32, i32) {
    %c0_i32 = arith.constant 0 : i32
    %c0_i32_0 = arith.constant 0 : i32
    %c0_i32_1 = arith.constant 0 : i32
    return %arg0, %c0_i32, %c0_i32_0 : i32, i32, i32
  }
}

</mosaic_0001>

<sc_bundles>
// kernel: kernel.4.cloned.1.call-start
scs
__scs_entry_jumppad:
0x0: {  	(pc) =	sbr.rel $0x88, $3  }
0x1: {  	(tag) =	ssettag $0x0;
	lr =	simm.s32 $0x1  }
0x2: {  	[smem:$0x3F9D] =	sst lr;
	_ =	strace $0xD0000000  }
0x3: {  	_ = 	snop  }
0x4: {  	_ = 	snop  }
0x5: {  	_ = 	snop  }
0x6: {  	_ = 	snop  }
0x7: {  	_ = 	snop  }
__scs_overlays_trampoline_lowered:
0x8: {  	[smem:$0x3FAC] =	sst s0  }
0x9: {  	[smem:$0x3FAD] =	sst s1  }
0xa: {  	[smem:$0x3FAE] =	sst s2  }
0xb: {  	[smem:$0x3FAF] =	sst s3  }
0xc: {  	[smem:$0x3FB0] =	sst s4  }
0xd: {  	[smem:$0x3FB1] =	sst s5  }
0xe: {  	[smem:$0x3FB2] =	sst s6  }
0xf: {  	[smem:$0x3FB3] =	sst s7  }
0x10: {  	[smem:$0x3FB4] =	sst s8  }
0x11: {  	[smem:$0x3FB5] =	sst s9;
	s0 =	simm.s32 @!p0 $0x0  }
0x12: {  	s1 =	sld [smem:$0x3F9B];
	s0 =	simm.s32 @p0 $0x1  }
0x13: {  	[smem:$0x3FB6] =	sst s0;
	s0 =	simm.s32 @!p1 $0x0  }
0x14: {  	s2 =	sld [smem:$0x3F9A];
	s0 =	simm.s32 @p1 $0x1  }
0x15: {  	[smem:$0x3FB7] =	sst s0;
	s0 =	simm.s32 @!p2 $0x0  }
0x16: {  	s3 =	sld [smem:$0x3FDB];
	s0 =	simm.s32 @p2 $0x1  }
0x17: {  	s4 =	simm.s32 $0x1BF5;
	[smem:$0x3FB9] =	sst s0  }
0x18: {  	s0 =	sld [smem:$0x3F9C];
	_ =	swait.ge [sflag:s4], $0x0  }
0x19: {  	s7 =	sld [smem:$0x3F9D]  }
0x1a: {  	s8 =	sadd.s32 $0xFFFFE003, lr  }
0x1b: {  	s9 =	sadd.s32 $0xFFFFFEF7, lr;
	s5 =	simm.s32 $0xFFFFFFFF;
	p2 =	slt.u32 s8, $0xFFFFF086  }
0x1c: {  	p1 =	slt.u32 s9, $0xF7A;
	s5 =	simm.s32 @!p2 $0x0  }
0x1d: {  	s5 =	simm.s32 @p1 $0x1;
	p0 =	seq.s32 s7, s2  }
0x1e: {  	s7 =	smul.u32 @!p0 $0xF7A, s2;
	p2 =	seq.s32 @!p0 s5, $0x0  }
0x1f: {  	s9 =	smul.u32 $0xF7A, s1;
	s8 =	simm.s32 @!p0 $0x1BF5;
	p2 =	por !p2, p0  }
0x20: {  	[sflag:s8] =	ssyncset.s32 @!p0 $0xFFFFF086;
	s6 =	sadd.s32 @!p0 s3, s7;
	s7 =	simm.s32 @!p0 $0x108  }
0x21: {  	s3 =	sadd.s32 s3, s9;
	s6 =	sadd.s32 @!p0 $0x88, s6;
	s7 =	simm.s32 @p2 $0x1082  }
0x22: {  	[simem:s7], [sflag:s8] =	dma.local @!p0 [hbm:s6], $0xF7A  }
0x23: {  	s9 =	sor.u32 $0xD0000000, s2;
	s6 =	simm.s32 $0x108;
	_ =	swait.ge @!p0 [sflag:s8], $0x0  }
0x24: {  	s3 =	sadd.s32 $0x88, s3;
	s6 =	simm.s32 @!p1 $0x1082;
	[sflag:s4] =	ssyncset.s32 $0xFFFFF086  }
0x25: {  	[simem:s6], [sflag:s4] =	dma.local [hbm:s3], $0xF7A  }
0x26: {  	[smem:$0x3F9D] =	sst s1;
	(tag) =	ssettag s2;
	_ =	strace s9  }
0x27: {  	s1 =	sld [smem:$0x3FAD]  }
0x28: {  	s2 =	sld [smem:$0x3FAE]  }
0x29: {  	s4 =	sld [smem:$0x3FB0]  }
0x2a: {  	p0 =	seq.s32 s5, $0x0;
	s5 =	sld [smem:$0x3FB1]  }
0x2b: {  	s6 =	sld [smem:$0x3FB2]  }
0x2c: {  	s7 =	sld [smem:$0x3FB3]  }
0x2d: {  	s3 =	simm.s32 $0x108;
	s8 =	sld [smem:$0x3FB4]  }
0x2e: {  	s3 =	simm.s32 @!p0 $0x1082;
	s9 =	sld [smem:$0x3FB5]  }
0x2f: {  	lr =	sadd.s32 s0, s3;
	s0 =	sld [smem:$0x3FAC]  }
0x30: {  	s3 =	sld [smem:$0x3FAF]  }
0x31: {  	[smem:$0x3FB8] =	sst s10  }
0x32: {  	s10 =	sld [smem:$0x3FB6];
	_ =	sdelay $0x3  }
0x33: {  	p0 =	seq.s32 s10, $0x1;
	s10 =	sld [smem:$0x3FB8];
	_ =	sdelay $0x3  }
0x34: {  	[smem:$0x3FB8] =	sst s10  }
0x35: {  	s10 =	sld [smem:$0x3FB7];
	_ =	sdelay $0x3  }
0x36: {  	p1 =	seq.s32 s10, $0x1;
	s10 =	sld [smem:$0x3FB8];
	_ =	sdelay $0x3  }
0x37: {  	[smem:$0x3FB8] =	sst s10  }
0x38: {  	s10 =	sld [smem:$0x3FB9]  }
0x39: {  	_ = 	snop;
	(pc) =	sbr.ind lr, $3  }
0x3a: {  	_ = 	snop  }
0x3b: {  	_ = 	snop  }
0x3c: {  	p2 =	seq.s32 s10, $0x1;
	s10 =	sld [smem:$0x3FB8]  }
0x3d: {  	_ =	shalt  }
0x3e: {  	_ =	shalt  }
0x3f: {  	_ =	shalt  }
0x40: {  	_ =	shalt  }
0x41: {  	_ =	shalt  }
0x42: {  	_ =	shalt  }
0x43: {  	_ =	shalt  }
0x44: {  	_ =	shalt  }
0x45: {  	_ =	shalt  }
0x46: {  	_ =	shalt  }
0x47: {  	_ =	shalt  }
0x48: {  	_ =	shalt  }
0x49: {  	_ =	shalt  }
0x4a: {  	_ =	shalt  }
0x4b: {  	_ =	shalt  }
0x4c: {  	_ =	shalt  }
0x4d: {  	_ =	shalt  }
0x4e: {  	_ =	shalt  }
0x4f: {  	_ =	shalt  }
0x50: {  	_ =	shalt  }
0x51: {  	_ =	shalt  }
0x52: {  	_ =	shalt  }
0x53: {  	_ =	shalt  }
0x54: {  	_ =	shalt  }
0x55: {  	_ =	shalt  }
0x56: {  	_ =	shalt  }
0x57: {  	_ =	shalt  }
0x58: {  	_ =	shalt  }
0x59: {  	_ =	shalt  }
0x5a: {  	_ =	shalt  }
0x5b: {  	_ =	shalt  }
0x5c: {  	_ =	shalt  }
0x5d: {  	_ =	shalt  }
0x5e: {  	_ =	shalt  }
0x5f: {  	_ =	shalt  }
0x60: {  	_ =	shalt  }
0x61: {  	_ =	shalt  }
0x62: {  	_ =	shalt  }
0x63: {  	_ =	shalt  }
0x64: {  	_ =	shalt  }
0x65: {  	_ =	shalt  }
0x66: {  	_ =	shalt  }
0x67: {  	_ =	shalt  }
0x68: {  	_ =	shalt  }
0x69: {  	_ =	shalt  }
0x6a: {  	_ =	shalt  }
0x6b: {  	_ =	shalt  }
0x6c: {  	_ =	shalt  }
0x6d: {  	_ =	shalt  }
0x6e: {  	_ =	shalt  }
0x6f: {  	_ =	shalt  }
0x70: {  	_ =	shalt  }
0x71: {  	_ =	shalt  }
0x72: {  	_ =	shalt  }
0x73: {  	_ =	shalt  }
0x74: {  	_ =	shalt  }
0x75: {  	_ =	shalt  }
0x76: {  	_ =	shalt  }
0x77: {  	_ =	shalt  }
0x78: {  	_ =	shalt  }
0x79: {  	_ =	shalt  }
0x7a: {  	_ =	shalt  }
0x7b: {  	_ =	shalt  }
0x7c: {  	_ =	shalt  }
0x7d: {  	_ =	shalt  }
0x7e: {  	_ =	shalt  }
0x7f: {  	_ =	shalt  }
0x80: {  	_ =	shalt  }
0x81: {  	_ =	shalt  }
0x82: {  	_ =	shalt  }
0x83: {  	_ =	shalt  }
0x84: {  	_ =	shalt  }
0x85: {  	_ =	shalt  }
0x86: {  	_ =	shalt  }
0x87: {  	_ =	shalt  }
.Lfunc_end0:
.L_simem_size_0:
called_computation_lowered:
.L_overlay_start_0:
0x88: {  	s2 =	sld [smem:$0x3FD9]  }
0x89: {  	s3 =	sld [smem:$0x3FFE];
	_ =	sdelay $0x1  }
0x8a: {  	s1 =	srdreg.scid  }
0x8b: {  	s0 =	sand.u32 $0x1, s1  }
0x8c: {  	s17 =	sshll.u32 s0, $0xA;
	s2 =	sadd.s32 s3, s2  }
0x8d: {  	s2 =	sadd.s32 s2, s17  }
0x8e: {  	[smem:$0x3FC4] =	sst s2  }
0x8f: {  	_ = 	snop  }
0x90: {  	s2 =	sld [smem:$0x3FC9]  }
0x91: {  	s18 =	sld [smem:$0x3FC8]  }
0x92: {  	s4 =	sld [smem:$0x3FD0];
	(tm) =	ssettm $0x1  }
0x93: {  	s5 =	sld [smem:$0x3FFB];
	_ =	sdelay $0x3  }
0x94: {  	_ =	strace s5  }
0x95: {  	s5 =	sld [smem:$0x3FFC];
	_ =	sdelay $0x3  }
0x96: {  	_ =	strace s5  }
0x97: {  	s5 =	sld [smem:$0x3FFD];
	_ =	sdelay $0x3  }
0x98: {  	_ =	strace s5  }
0x99: {  	_ =	strace $0x8FFFFFFF  }
0x9a: {  	s19 =	sld [smem:$0x3FDB];
	_ =	sdelay $0x1  }
0x9b: {  	s6 =	simm.s32 $_scs_section_size  }
0x9c: {  	s7 =	simm.s32 $_size__tile_overlayer_lowered;
	s8 =	simm.s32 $_tile_overlayer_lowered  }
0x9d: {  	s22 =	simm.s32 $0x1BFF;
	s21 =	sshll.u32 s8, $0x1;
	s5 =	sadd.s32 s6, s19  }
0x9e: {  	s9 =	simm.s32 $0x0;
	s20 =	sshll.u32 s7, $0x1;
	s7 =	sadd.s32 s21, s5  }
0x9f: {  	[timem:s9], [sflag:s22] =	dma.local [hbm:s7], s20  }
0xa0: {  	_ =	swait.ge [sflag:s22], s20  }
0xa1: {  	s6 =	ssub.s32 $0x0, s20;
	[sflag:s22] =	ssyncset.done $0x0  }
0xa2: {  	[sflag:s22] =	ssyncadd.s32 s6;
	_ =	sdelay $0x1  }
0xa3: {  	s23 =	simm.s32 $0x1B8B  }
0xa4: {  	_ =	swait.ge [sflag:s23], $0x1  }
0xa5: {  	[sflag:s23] =	ssyncset.done $0x0  }
0xa6: {  	s25 =	simm.s32 $0x1B8E;
	s24 =	sld [smem:$0x3FFE];
	[sflag:s23] =	ssyncadd.s32 $0xFFFFFFFF  }
0xa7: {  	s26 =	simm.s32 $execute0_lowered;
	[smem:$0x3FD2] =	sst s25  }
0xa8: {  	s7 =	sshll.u32 s26, $0x1;
	_ =	strace $0x80000046;
	[dreg:$0x1] =	wrdreg $0xFFFFFFFF  }
0xa9: {  	s28 =	simm.s32 $_size_execute0_lowered;
	s5 =	sadd.s32 s5, s7;
	[dreg:$0x0] =	wrdreg $0x0  }
0xaa: {  	s7 =	sshll.u32 s28, $0x1;
	[dreg:$0x2] =	wrdreg s5  }
0xab: {  	[dreg:$0x3] =	wrdreg s7  }
0xac: {  	[dreg:$0x4] =	wrdreg $0xC0  }
0xad: {  	_ =	task [dreg:s9], $0x5FFFF  }
0xae: {  	[dreg:$0x1] =	wrdreg $0xFFFFFFFF  }
0xaf: {  	[dreg:$0x0] =	wrdreg $0x60  }
0xb0: {  	[dreg:$0x2] =	wrdreg s2  }
0xb1: {  	[dreg:$0x3] =	wrdreg s18  }
0xb2: {  	[dreg:$0x4] =	wrdreg s24  }
0xb3: {  	[dreg:$0x5] =	wrdreg s4  }
0xb4: {  	[dreg:$0x6] =	wrdreg $0x9  }
0xb5: {  	_ =	task.clear_ibuf [dreg:s9], $0x7FFFF;
	_ =	strace $0x90000046  }
0xb6: {  	s29 =	simm.s32 $0x9;
	_ =	strace $0x80000048  }
0xb7: {  	_ =	swait.ge [sflag:s29], $0x1  }
0xb8: {  	[sflag:s29] =	ssyncadd.s32 $0xFFFFFFFF  }
0xb9: {  	_ =	strace $0x90000048  }
0xba: {  	_ =	sfence  }
0xbb: {  	s30 =	sld [smem:$0x0];
	_ =	sdelay $0x2  }
0xbc: {  	s31 =	sshll.u32 s1, $0xD;
	s1 =	sshrl.u32 s1, $0x2  }
0xbd: {  	s3 =	sand.u32 $0x4000, s31;
	s1 =	sadd.s32 s1, s30  }
0xbe: {  	s0 =	sor.u32 s3, s0;
	s1 =	sshll.u32 s1, $0x11  }
0xbf: {  	s0 =	sor.u32 s1, s0  }
0xc0: {  	s0 =	sadd.s32 $0x8F2B, s0  }
0xc1: {  	[sflag:s0] =	ssyncadd.remote.s32 $0x1  }
0xc2: {  	_ =	sfence.sel $0xFFFF  }
0xc3: {  	[dreg:$0x0] =	wrdreg $0xFFFFFFFF;
	(pc) =	sbr.abs _section_cstart, $3  }
0xc4: {  	[dreg:$0x1] =	wrdreg $0xFFFFFFFF  }
0xc5: {  	_ =	task.clear_ibuf [dreg:s9], $0x2FFFF;
	_ =	strace $0x9FFFFFFF  }
0xc6: {  	(tm) =	ssettm $0x7FFFFFFF  }
0xc7: {  	_ =	shalt  }
tec
execute0_lowered:
.L_overlay_start_1:
0x0: {  	(tag) =	ssettag $0x1  }
0x1: {  	s1 =	rddreg [dreg:$0x0]  }
0x2: {  	s22 =	rddreg [dreg:$0x1]  }
0x3: {  	s0 =	rddreg [dreg:$0x2]  }
0x4: {  	s3 =	rddreg [dreg:$0x3];
	s9 =	simm.s32 $0x1000  }
0x5: {  	_ =	strace $0x80000047;
	s11 =	simm.s32 $0x2000;
	[dreg:$0x9] =	wrdreg s9  }
0x6: {  	s12 =	simm.s32 $0x2800;
	[dreg:$0xa] =	wrdreg s11  }
0x7: {  	s2 =	sadd.s32 $0x1200, s0;
	[dreg:$0xb] =	wrdreg s12  }
0x8: {  	s15 =	sadd.s32 $0x1400, s0;
	[dreg:$0x5] =	wrdreg s2  }
0x9: {  	s16 =	sadd.s32 $0xE00, s0;
	[dreg:$0x6] =	wrdreg s15  }
0xa: {  	s0 =	sadd.s32 $0x1000, s0;
	[dreg:$0x7] =	wrdreg s16  }
0xb: {  	s20 =	sadd.s32 $0x100, s1;
	[dreg:$0x8] =	wrdreg s0  }
0xc: {  	s21 =	sadd.s32 $0x200, s1;
	[smem:$0x7F0] =	sst s20  }
0xd: {  	s23 =	sadd.s32 $0x300, s1;
	[smem:$0x7F1] =	sst s21  }
0xe: {  	s24 =	sadd.s32 $0x400, s1;
	[smem:$0x7F2] =	sst s23  }
0xf: {  	s25 =	sadd.s32 $0x500, s1;
	[smem:$0x7F3] =	sst s24  }
0x10: {  	s26 =	sadd.s32 $0x600, s1;
	[smem:$0x7F4] =	sst s25  }
0x11: {  	s1 =	sadd.s32 $0x700, s1;
	[smem:$0x7F5] =	sst s26  }
0x12: {  	s30 =	sadd.s32 $0x100, s3;
	[smem:$0x7F6] =	sst s1  }
0x13: {  	s31 =	sadd.s32 $0x200, s3;
	[smem:$0x7F7] =	sst s30  }
0x14: {  	s7 =	sadd.s32 $0x500, s3;
	[smem:$0x7F8] =	sst s31  }
0x15: {  	s8 =	sadd.s32 $0x600, s3;
	[smem:$0x7FB] =	sst s7  }
0x16: {  	s4 =	srdreg.scid;
	s10 =	sadd.s32 $0x700, s3;
	[smem:$0x7FC] =	sst s8  }
0x17: {  	s6 =	stileid.u32;
	[smem:$0x7FD] =	sst s10;
	s20 =	sadd.s32 $0x200, s22  }
0x18: {  	s17 =	sand.u32 $0x1, s4;
	s21 =	sadd.s32 $0x300, s22;
	[dreg:$0x1a] =	wrdreg s20  }
0x19: {  	s4 =	ssub.s32 $0x2, s17;
	s23 =	sadd.s32 $0x400, s22;
	[dreg:$0x1b] =	wrdreg s21  }
0x1a: {  	s2 =	sshll.u32 s17, $0x4;
	s24 =	sadd.s32 $0x500, s22;
	[dreg:$0x1c] =	wrdreg s23  }
0x1b: {  	s26 =	sadd.s32 $0x600, s22;
	s5 =	sshrl.u32 s4, $0x1;
	[dreg:$0x1d] =	wrdreg s24  }
0x1c: {  	s2 =	sor.u32 s6, s2;
	s6 =	sadd.s32 $0x400, s3;
	[dreg:$0x1e] =	wrdreg s26  }
0x1d: {  	s18 =	ssub.s32 s4, s5;
	s4 =	sadd.s32 $0x300, s3;
	[smem:$0x7FA] =	sst s6  }
0x1e: {  	s19 =	sshll.u32 s2, $0x7;
	[smem:$0x7F9] =	sst s4  }
0x1f: {  	s2 =	sshll.u32 s2, $0x6;
	[dreg:$0xc] =	wrdreg s19  }
0x20: {  	s28 =	sor.u32 $0x10, s19;
	[dreg:$0x11] =	wrdreg s2  }
0x21: {  	s13 =	sor.u32 $0x20, s19;
	[dreg:$0xd] =	wrdreg s28  }
0x22: {  	s14 =	sor.u32 $0x30, s19;
	[dreg:$0xe] =	wrdreg s13  }
0x23: {  	s15 =	sor.u32 $0x40, s19;
	[dreg:$0xf] =	wrdreg s14  }
0x24: {  	s16 =	sor.u32 $0x50, s19;
	[dreg:$0x10] =	wrdreg s15  }
0x25: {  	s17 =	sor.u32 $0x60, s19;
	[dreg:$0x12] =	wrdreg s16  }
0x26: {  	s25 =	smax.u32 s18, $0x1;
	s18 =	sor.u32 $0x70, s19;
	[dreg:$0x13] =	wrdreg s17  }
0x27: {  	s19 =	sadd.s32 $0x100, s22;
	[dreg:$0x14] =	wrdreg s18  }
0x28: {  	s30 =	sor.u32 $0x10, s2;
	[dreg:$0x19] =	wrdreg s19  }
0x29: {  	s31 =	sor.u32 $0x20, s2;
	[dreg:$0x15] =	wrdreg s30  }
0x2a: {  	v2 =	vlaneseq.u32;
	s2 =	sor.u32 $0x30, s2;
	[dreg:$0x16] =	wrdreg s31  }
0x2b: {  	vm0 =	vmmov $0xffff;
	v1 =	vshrl.u32 v2, $0x3;
	s28 =	sadd.s32 $0x700, s22;
	[dreg:$0x17] =	wrdreg s2  }
0x2c: {  	s29 =	simm.s32 $0x0;
	v0 =	vand.u32 $0x7, v2;
	v2 =	vor.u32 $0x8, v2;
	v1 =	vmul.u32 $0x8, v1;
	[dreg:$0x1f] =	wrdreg s28  }
.LBB2_1:
0x2d: {  	[dreg:$0x18] =	wrdreg s25  }
0x2e: {  	s5 =	rddreg [dreg:$0x5];
	s0 =	simm.s32 $0x3  }
0x2f: {  	[tilespmem:s29], [sflag:$0x3] =	stream.linear.gather [hbm4b:s5+s29], $0x1000, $0x38;
	[tilespmem:$0x13000] =	vst v63  }
0x30: {  	_ =	swait.ge [sflag:s0], $0x1000  }
0x31: {  	s13 =	rddreg [dreg:$0x6];
	[sflag:s0] =	ssyncset.done $0x0  }
0x32: {  	s2 =	rddreg [dreg:$0x9];
	[sflag:s0] =	ssyncadd.s32 $0xFFFFF000  }
0x33: {  	[tilespmem:s2], [sflag:$0x3] =	stream.linear.gather [hbm4b:s13+s29], $0x1000, $0x38;
	[tilespmem:$0x13000] =	vst v63  }
0x34: {  	_ =	swait.ge [sflag:s0], $0x1000  }
0x35: {  	s14 =	rddreg [dreg:$0x7];
	[sflag:s0] =	ssyncset.done $0x0  }
0x36: {  	s15 =	rddreg [dreg:$0xa];
	[sflag:s0] =	ssyncadd.s32 $0xFFFFF000  }
0x37: {  	[tilespmem:s15], [sflag:$0x3] =	stream.linear.gather [hbm4b:s14+s29], $0x800, $0x38;
	[tilespmem:$0x13000] =	vst v63  }
0x38: {  	_ =	swait.ge [sflag:s0], $0x800  }
0x39: {  	s16 =	rddreg [dreg:$0x8];
	[sflag:s0] =	ssyncset.done $0x0  }
0x3a: {  	s17 =	rddreg [dreg:$0xb];
	[sflag:s0] =	ssyncadd.s32 $0xFFFFF800  }
0x3b: {  	[tilespmem:s17], [sflag:$0x3] =	stream.linear.gather [hbm4b:s16+s29], $0x800, $0x38;
	[tilespmem:$0x13000] =	vst v63  }
0x3c: {  	_ =	swait.ge [sflag:s0], $0x800  }
0x3d: {  	[sflag:s0] =	ssyncset.done $0x0  }
0x3e: {  	s2 =	rddreg [dreg:$0xc];
	[sflag:s0] =	ssyncadd.s32 $0xFFFFF800  }
0x3f: {  	v3 =	vld [tilespmem:s2+$0x0];
	_ =	sdelay $0x4  }
0x40: {  	v4 =	vshll.u32 v3, $0x4  }
0x41: {  	v3 =	vand.u32 $0x7, v3;
	v4 =	vand.u32 $0xFFFFFF80, v4  }
0x42: {  	v3 =	vor.u32 v3, v4  }
0x43: {  	v4 =	vperm.xlane v3, v0;
	_ =	sdelay $0x1  }
0x44: {  	v4 =	vadd.s32 v1, v4;
	_ =	sdelay $0x2  }
0x45: {  	s7 =	sld [smem:$0x7F0]  }
0x46: {  	s18 =	simm.s32 $0x3000;
	s28 =	rddreg [dreg:$0x0]  }
0x47: {  	[tilespmem:s18], [sflag:$0x1] =	stream.indirect_vreg.gather [hbm4b:s28+s29], $0x80, v4, vm0, $0xb8;
	[tilespmem:$0x13000] =	vst v63  }
0x48: {  	s19 =	simm.s32 $0x3800;
	s8 =	sld [smem:$0x7F1]  }
0x49: {  	[tilespmem:s19], [sflag:$0x1] =	stream.indirect_vreg.gather [hbm4b:s7+s29], $0x80, v4, vm0, $0xb8;
	[tilespmem:$0x13000] =	vst v63  }
0x4a: {  	s20 =	simm.s32 $0x4000  }
0x4b: {  	[tilespmem:s20], [sflag:$0x1] =	stream.indirect_vreg.gather [hbm4b:s8+s29], $0x80, v4, vm0, $0xb8;
	[tilespmem:$0x13000] =	vst v63  }
0x4c: {  	s9 =	sld [smem:$0x7F2];
	_ =	sdelay $0x1  }
0x4d: {  	s21 =	simm.s32 $0x4800;
	s10 =	sld [smem:$0x7F3]  }
0x4e: {  	[tilespmem:s21], [sflag:$0x1] =	stream.indirect_vreg.gather [hbm4b:s9+s29], $0x80, v4, vm0, $0xb8;
	[tilespmem:$0x13000] =	vst v63  }
0x4f: {  	s22 =	simm.s32 $0x5000;
	s11 =	sld [smem:$0x7F4]  }
0x50: {  	[tilespmem:s22], [sflag:$0x1] =	stream.indirect_vreg.gather [hbm4b:s10+s29], $0x80, v4, vm0, $0xb8;
	[tilespmem:$0x13000] =	vst v63  }
0x51: {  	s23 =	simm.s32 $0x5800;
	v3 =	vperm.xlane v3, v2;
	s12 =	sld [smem:$0x7F5]  }
0x52: {  	[tilespmem:s23], [sflag:$0x1] =	stream.indirect_vreg.gather [hbm4b:s11+s29], $0x80, v4, vm0, $0xb8;
	[tilespmem:$0x13000] =	vst v63  }
0x53: {  	s24 =	simm.s32 $0x6000;
	v3 =	vadd.s32 v1, v3;
	s0 =	sld [smem:$0x7F6]  }
0x54: {  	[tilespmem:s24], [sflag:$0x1] =	stream.indirect_vreg.gather [hbm4b:s12+s29], $0x80, v4, vm0, $0xb8;
	[tilespmem:$0x13000] =	vst v63  }
0x55: {  	s1 =	simm.s32 $0x6800  }
0x56: {  	[tilespmem:s1], [sflag:$0x1] =	stream.indirect_vreg.gather [hbm4b:s0+s29], $0x80, v4, vm0, $0xb8;
	[tilespmem:$0x13000] =	vst v63  }
0x57: {  	s25 =	simm.s32 $0x7000  }
0x58: {  	[tilespmem:s25], [sflag:$0x1] =	stream.indirect_vreg.gather [hbm4b:s28+s29], $0x80, v3, vm0, $0xb8;
	[tilespmem:$0x13000] =	vst v63  }
0x59: {  	s26 =	simm.s32 $0x7800  }
0x5a: {  	[tilespmem:s26], [sflag:$0x1] =	stream.indirect_vreg.gather [hbm4b:s7+s29], $0x80, v3, vm0, $0xb8;
	[tilespmem:$0x13000] =	vst v63  }
0x5b: {  	s30 =	simm.s32 $0x8000  }
0x5c: {  	[tilespmem:s30], [sflag:$0x1] =	stream.indirect_vreg.gather [hbm4b:s8+s29], $0x80, v3, vm0, $0xb8;
	[tilespmem:$0x13000] =	vst v63  }
0x5d: {  	s31 =	simm.s32 $0x8800  }
0x5e: {  	[tilespmem:s31], [sflag:$0x1] =	stream.indirect_vreg.gather [hbm4b:s9+s29], $0x80, v3, vm0, $0xb8;
	[tilespmem:$0x13000] =	vst v63  }
0x5f: {  	s3 =	simm.s32 $0x9000  }
0x60: {  	[tilespmem:s3], [sflag:$0x1] =	stream.indirect_vreg.gather [hbm4b:s10+s29], $0x80, v3, vm0, $0xb8;
	[tilespmem:$0x13000] =	vst v63  }
0x61: {  	s4 =	simm.s32 $0x9800  }
0x62: {  	[tilespmem:s4], [sflag:$0x1] =	stream.indirect_vreg.gather [hbm4b:s11+s29], $0x80, v3, vm0, $0xb8;
	[tilespmem:$0x13000] =	vst v63  }
0x63: {  	s5 =	simm.s32 $0xA000  }
0x64: {  	[tilespmem:s5], [sflag:$0x1] =	stream.indirect_vreg.gather [hbm4b:s12+s29], $0x80, v3, vm0, $0xb8;
	[tilespmem:$0x13000] =	vst v63  }
0x65: {  	s6 =	simm.s32 $0xA800;
	s13 =	simm.s32 $0x1  }
0x66: {  	[tilespmem:s6], [sflag:$0x1] =	stream.indirect_vreg.gather [hbm4b:s0+s29], $0x80, v3, vm0, $0xb8;
	[tilespmem:$0x13000] =	vst v63  }
0x67: {  	_ =	swait.ge [sflag:s13], $0x8000  }
0x68: {  	[sflag:s13] =	ssyncset.done $0x0  }
0x69: {  	s31 =	rddreg [dreg:$0xd];
	[sflag:s13] =	ssyncadd.s32 $0xFFFF8000  }
0x6a: {  	v3 =	vld [tilespmem:s31+$0x0];
	_ =	sdelay $0x4  }
0x6b: {  	v41 =	vshll.u32 v3, $0x4  }
0x6c: {  	v3 =	vand.u32 $0x7, v3;
	v4 =	vand.u32 $0xFFFFFF80, v41  }
0x6d: {  	v3 =	vor.u32 v3, v4  }
0x6e: {  	v4 =	vperm.xlane v3, v0;
	_ =	sdelay $0x1  }
0x6f: {  	v4 =	vadd.s32 v1, v4;
	_ =	sdelay $0x3  }
0x70: {  	s14 =	simm.s32 $0xB000  }
0x71: {  	[tilespmem:s14], [sflag:$0x2] =	stream.indirect_vreg.gather [hbm4b:s28+s29], $0x80, v4, vm0, $0xb8;
	[tilespmem:$0x13000] =	vst v63  }
0x72: {  	s15 =	simm.s32 $0xB800  }
0x73: {  	[tilespmem:s15], [sflag:$0x2] =	stream.indirect_vreg.gather [hbm4b:s7+s29], $0x80, v4, vm0, $0xb8;
	[tilespmem:$0x13000] =	vst v63  }
0x74: {  	s16 =	simm.s32 $0xC000  }
0x75: {  	[tilespmem:s16], [sflag:$0x2] =	stream.indirect_vreg.gather [hbm4b:s8+s29], $0x80, v4, vm0, $0xb8;
	[tilespmem:$0x13000] =	vst v63  }
0x76: {  	s17 =	simm.s32 $0xC800  }
0x77: {  	[tilespmem:s17], [sflag:$0x2] =	stream.indirect_vreg.gather [hbm4b:s9+s29], $0x80, v4, vm0, $0xb8;
	[tilespmem:$0x13000] =	vst v63  }
0x78: {  	s18 =	simm.s32 $0xD000  }
0x79: {  	[tilespmem:s18], [sflag:$0x2] =	stream.indirect_vreg.gather [hbm4b:s10+s29], $0x80, v4, vm0, $0xb8;
	[tilespmem:$0x13000] =	vst v63  }
0x7a: {  	s19 =	simm.s32 $0xD800;
	v3 =	vperm.xlane v3, v2  }
0x7b: {  	[tilespmem:s19], [sflag:$0x2] =	stream.indirect_vreg.gather [hbm4b:s11+s29], $0x80, v4, vm0, $0xb8;
	[tilespmem:$0x13000] =	vst v63  }
0x7c: {  	s20 =	simm.s32 $0xE000;
	v3 =	vadd.s32 v1, v3  }
0x7d: {  	[tilespmem:s20], [sflag:$0x2] =	stream.indirect_vreg.gather [hbm4b:s12+s29], $0x80, v4, vm0, $0xb8;
	[tilespmem:$0x13000] =	vst v63  }
0x7e: {  	s21 =	simm.s32 $0xE800  }
0x7f: {  	[tilespmem:s21], [sflag:$0x2] =	stream.indirect_vreg.gather [hbm4b:s0+s29], $0x80, v4, vm0, $0xb8;
	[tilespmem:$0x13000] =	vst v63  }
0x80: {  	s22 =	simm.s32 $0xF000  }
0x81: {  	[tilespmem:s22], [sflag:$0x2] =	stream.indirect_vreg.gather [hbm4b:s28+s29], $0x80, v3, vm0, $0xb8;
	[tilespmem:$0x13000] =	vst v63  }
0x82: {  	s23 =	simm.s32 $0xF800  }
0x83: {  	[tilespmem:s23], [sflag:$0x2] =	stream.indirect_vreg.gather [hbm4b:s7+s29], $0x80, v3, vm0, $0xb8;
	[tilespmem:$0x13000] =	vst v63  }
0x84: {  	s24 =	simm.s32 $0x10000  }
0x85: {  	[tilespmem:s24], [sflag:$0x2] =	stream.indirect_vreg.gather [hbm4b:s8+s29], $0x80, v3, vm0, $0xb8;
	[tilespmem:$0x13000] =	vst v63  }
0x86: {  	s26 =	simm.s32 $0x10800  }
0x87: {  	[tilespmem:s26], [sflag:$0x2] =	stream.indirect_vreg.gather [hbm4b:s9+s29], $0x80, v3, vm0, $0xb8;
	[tilespmem:$0x13000] =	vst v63  }
0x88: {  	s30 =	simm.s32 $0x11000  }
0x89: {  	[tilespmem:s30], [sflag:$0x2] =	stream.indirect_vreg.gather [hbm4b:s10+s29], $0x80, v3, vm0, $0xb8;
	[tilespmem:$0x13000] =	vst v63  }
0x8a: {  	s1 =	simm.s32 $0x11800  }
0x8b: {  	[tilespmem:s1], [sflag:$0x2] =	stream.indirect_vreg.gather [hbm4b:s11+s29], $0x80, v3, vm0, $0xb8;
	[tilespmem:$0x13000] =	vst v63  }
0x8c: {  	s3 =	simm.s32 $0x12000  }
0x8d: {  	[tilespmem:s3], [sflag:$0x2] =	stream.indirect_vreg.gather [hbm4b:s12+s29], $0x80, v3, vm0, $0xb8;
	[tilespmem:$0x13000] =	vst v63  }
0x8e: {  	s4 =	simm.s32 $0x12800  }
0x8f: {  	[tilespmem:s4], [sflag:$0x2] =	stream.indirect_vreg.gather [hbm4b:s0+s29], $0x80, v3, vm0, $0xb8;
	[tilespmem:$0x13000] =	vst v63  }
0x90: {  	v3 =	vld [tilespmem:s2+$0x1000];
	_ =	sdelay $0x4  }
0x91: {  	v42 =	vshll.u32 v3, $0x4  }
0x92: {  	v3 =	vand.u32 $0x7, v3;
	v4 =	vand.u32 $0xFFFFFF80, v42  }
0x93: {  	v3 =	vor.u32 v3, v4  }
0x94: {  	v4 =	vperm.xlane v3, v0;
	_ =	sdelay $0x1  }
0x95: {  	v4 =	vadd.s32 v1, v4;
	_ =	sdelay $0x2  }
0x96: {  	s5 =	rddreg [dreg:$0x3]  }
0x97: {  	s15 =	sld [smem:$0x7F7];
	s1 =	simm.s32 $0x3000  }
0x98: {  	[hbm4b:s5+s29] =	stream.indirect_vreg.scatter [tilespmem:s1], [sflag:$0x3], $0x80, v4, vm0, $0xb8;
	[tilespmem:$0x13000] =	vst v63  }
0x99: {  	s16 =	sld [smem:$0x7F8];
	s22 =	simm.s32 $0x3800  }
0x9a: {  	[hbm4b:s15+s29] =	stream.indirect_vreg.scatter [tilespmem:s22], [sflag:$0x3], $0x80, v4, vm0, $0xb8;
	[tilespmem:$0x13000] =	vst v63  }
0x9b: {  	s17 =	sld [smem:$0x7F9];
	s21 =	simm.s32 $0x4000  }
0x9c: {  	[hbm4b:s16+s29] =	stream.indirect_vreg.scatter [tilespmem:s21], [sflag:$0x3], $0x80, v4, vm0, $0xb8;
	[tilespmem:$0x13000] =	vst v63  }
0x9d: {  	s13 =	simm.s32 $0x4800;
	s18 =	sld [smem:$0x7FA]  }
0x9e: {  	[hbm4b:s17+s29] =	stream.indirect_vreg.scatter [tilespmem:s13], [sflag:$0x3], $0x80, v4, vm0, $0xb8;
	[tilespmem:$0x13000] =	vst v63  }
0x9f: {  	s19 =	sld [smem:$0x7FB];
	s4 =	simm.s32 $0x5000  }
0xa0: {  	[hbm4b:s18+s29] =	stream.indirect_vreg.scatter [tilespmem:s4], [sflag:$0x3], $0x80, v4, vm0, $0xb8;
	[tilespmem:$0x13000] =	vst v63  }
0xa1: {  	s20 =	sld [smem:$0x7FC];
	s3 =	simm.s32 $0x5800;
	v3 =	vperm.xlane v3, v2  }
0xa2: {  	[hbm4b:s19+s29] =	stream.indirect_vreg.scatter [tilespmem:s3], [sflag:$0x3], $0x80, v4, vm0, $0xb8;
	[tilespmem:$0x13000] =	vst v63  }
0xa3: {  	s23 =	sld [smem:$0x7FD];
	s24 =	simm.s32 $0x6000;
	v3 =	vadd.s32 v1, v3  }
0xa4: {  	[hbm4b:s20+s29] =	stream.indirect_vreg.scatter [tilespmem:s24], [sflag:$0x3], $0x80, v4, vm0, $0xb8;
	[tilespmem:$0x13000] =	vst v63  }
0xa5: {  	s25 =	simm.s32 $0x6800  }
0xa6: {  	[hbm4b:s23+s29] =	stream.indirect_vreg.scatter [tilespmem:s25], [sflag:$0x3], $0x80, v4, vm0, $0xb8;
	[tilespmem:$0x13000] =	vst v63  }
0xa7: {  	s26 =	simm.s32 $0x7000  }
0xa8: {  	[hbm4b:s5+s29] =	stream.indirect_vreg.scatter [tilespmem:s26], [sflag:$0x3], $0x80, v3, vm0, $0xb8;
	[tilespmem:$0x13000] =	vst v63  }
0xa9: {  	s30 =	simm.s32 $0x7800  }
0xaa: {  	[hbm4b:s15+s29] =	stream.indirect_vreg.scatter [tilespmem:s30], [sflag:$0x3], $0x80, v3, vm0, $0xb8;
	[tilespmem:$0x13000] =	vst v63  }
0xab: {  	s6 =	simm.s32 $0x8000  }
0xac: {  	[hbm4b:s16+s29] =	stream.indirect_vreg.scatter [tilespmem:s6], [sflag:$0x3], $0x80, v3, vm0, $0xb8;
	[tilespmem:$0x13000] =	vst v63  }
0xad: {  	s5 =	simm.s32 $0x8800  }
0xae: {  	[hbm4b:s17+s29] =	stream.indirect_vreg.scatter [tilespmem:s5], [sflag:$0x3], $0x80, v3, vm0, $0xb8;
	[tilespmem:$0x13000] =	vst v63  }
0xaf: {  	s14 =	simm.s32 $0x9000  }
0xb0: {  	[hbm4b:s18+s29] =	stream.indirect_vreg.scatter [tilespmem:s14], [sflag:$0x3], $0x80, v3, vm0, $0xb8;
	[tilespmem:$0x13000] =	vst v63  }
0xb1: {  	s6 =	simm.s32 $0x9800  }
0xb2: {  	[hbm4b:s19+s29] =	stream.indirect_vreg.scatter [tilespmem:s6], [sflag:$0x3], $0x80, v3, vm0, $0xb8;
	[tilespmem:$0x13000] =	vst v63  }
0xb3: {  	s2 =	simm.s32 $0xA000  }
0xb4: {  	[hbm4b:s20+s29] =	stream.indirect_vreg.scatter [tilespmem:s2], [sflag:$0x3], $0x80, v3, vm0, $0xb8;
	[tilespmem:$0x13000] =	vst v63  }
0xb5: {  	s2 =	simm.s32 $0xA800  }
0xb6: {  	[hbm4b:s23+s29] =	stream.indirect_vreg.scatter [tilespmem:s2], [sflag:$0x3], $0x80, v3, vm0, $0xb8;
	[tilespmem:$0x13000] =	vst v63  }
0xb7: {  	s2 =	simm.s32 $0x3  }
0xb8: {  	_ =	swait.ge [sflag:s2], $0x8000  }
0xb9: {  	[sflag:s2] =	ssyncset.done $0x0  }
0xba: {  	[sflag:s2] =	ssyncadd.s32 $0xFFFF8000;
	s2 =	simm.s32 $0x2  }
0xbb: {  	_ =	swait.ge [sflag:s2], $0x8000  }
0xbc: {  	[sflag:s2] =	ssyncset.done $0x0  }
0xbd: {  	[sflag:s2] =	ssyncadd.s32 $0xFFFF8000;
	s2 =	rddreg [dreg:$0xe]  }
0xbe: {  	v3 =	vld [tilespmem:s2+$0x0];
	_ =	sdelay $0x4  }
0xbf: {  	v43 =	vshll.u32 v3, $0x4  }
0xc0: {  	v3 =	vand.u32 $0x7, v3;
	v4 =	vand.u32 $0xFFFFFF80, v43  }
0xc1: {  	v3 =	vor.u32 v3, v4  }
0xc2: {  	v4 =	vperm.xlane v3, v0;
	_ =	sdelay $0x1  }
0xc3: {  	v4 =	vadd.s32 v1, v4;
	_ =	sdelay $0x4  }
0xc4: {  	[tilespmem:s1], [sflag:$0x1] =	stream.indirect_vreg.gather [hbm4b:s28+s29], $0x80, v4, vm0, $0xb8;
	[tilespmem:$0x13000] =	vst v63  }
0xc5: {  	_ = 	snop  }
0xc6: {  	[tilespmem:s22], [sflag:$0x1] =	stream.indirect_vreg.gather [hbm4b:s7+s29], $0x80, v4, vm0, $0xb8;
	[tilespmem:$0x13000] =	vst v63  }
0xc7: {  	_ = 	snop  }
0xc8: {  	[tilespmem:s21], [sflag:$0x1] =	stream.indirect_vreg.gather [hbm4b:s8+s29], $0x80, v4, vm0, $0xb8;
	[tilespmem:$0x13000] =	vst v63  }
0xc9: {  	_ = 	snop  }
0xca: {  	[tilespmem:s13], [sflag:$0x1] =	stream.indirect_vreg.gather [hbm4b:s9+s29], $0x80, v4, vm0, $0xb8;
	[tilespmem:$0x13000] =	vst v63  }
0xcb: {  	_ = 	snop  }
0xcc: {  	[tilespmem:s4], [sflag:$0x1] =	stream.indirect_vreg.gather [hbm4b:s10+s29], $0x80, v4, vm0, $0xb8;
	[tilespmem:$0x13000] =	vst v63  }
0xcd: {  	v3 =	vperm.xlane v3, v2  }
0xce: {  	[tilespmem:s3], [sflag:$0x1] =	stream.indirect_vreg.gather [hbm4b:s11+s29], $0x80, v4, vm0, $0xb8;
	[tilespmem:$0x13000] =	vst v63  }
0xcf: {  	v3 =	vadd.s32 v1, v3  }
0xd0: {  	[tilespmem:s24], [sflag:$0x1] =	stream.indirect_vreg.gather [hbm4b:s12+s29], $0x80, v4, vm0, $0xb8;
	[tilespmem:$0x13000] =	vst v63  }
0xd1: {  	_ = 	snop  }
0xd2: {  	[tilespmem:s25], [sflag:$0x1] =	stream.indirect_vreg.gather [hbm4b:s0+s29], $0x80, v4, vm0, $0xb8;
	[tilespmem:$0x13000] =	vst v63  }
0xd3: {  	_ = 	snop  }
0xd4: {  	[tilespmem:s26], [sflag:$0x1] =	stream.indirect_vreg.gather [hbm4b:s28+s29], $0x80, v3, vm0, $0xb8;
	[tilespmem:$0x13000] =	vst v63  }
0xd5: {  	_ = 	snop  }
0xd6: {  	[tilespmem:s30], [sflag:$0x1] =	stream.indirect_vreg.gather [hbm4b:s7+s29], $0x80, v3, vm0, $0xb8;
	[tilespmem:$0x13000] =	vst v63  }
0xd7: {  	s13 =	simm.s32 $0x8000  }
0xd8: {  	[tilespmem:s13], [sflag:$0x1] =	stream.indirect_vreg.gather [hbm4b:s8+s29], $0x80, v3, vm0, $0xb8;
	[tilespmem:$0x13000] =	vst v63  }
0xd9: {  	_ = 	snop  }
0xda: {  	[tilespmem:s5], [sflag:$0x1] =	stream.indirect_vreg.gather [hbm4b:s9+s29], $0x80, v3, vm0, $0xb8;
	[tilespmem:$0x13000] =	vst v63  }
0xdb: {  	_ = 	snop  }
0xdc: {  	[tilespmem:s14], [sflag:$0x1] =	stream.indirect_vreg.gather [hbm4b:s10+s29], $0x80, v3, vm0, $0xb8;
	[tilespmem:$0x13000] =	vst v63  }
0xdd: {  	_ = 	snop  }
0xde: {  	[tilespmem:s6], [sflag:$0x1] =	stream.indirect_vreg.gather [hbm4b:s11+s29], $0x80, v3, vm0, $0xb8;
	[tilespmem:$0x13000] =	vst v63  }
0xdf: {  	s21 =	simm.s32 $0xA000  }
0xe0: {  	[tilespmem:s21], [sflag:$0x1] =	stream.indirect_vreg.gather [hbm4b:s12+s29], $0x80, v3, vm0, $0xb8;
	[tilespmem:$0x13000] =	vst v63  }
0xe1: {  	s22 =	simm.s32 $0xA800  }
0xe2: {  	[tilespmem:s22], [sflag:$0x1] =	stream.indirect_vreg.gather [hbm4b:s0+s29], $0x80, v3, vm0, $0xb8;
	[tilespmem:$0x13000] =	vst v63  }
0xe3: {  	v3 =	vld [tilespmem:s31+$0x1000];
	_ =	sdelay $0x4  }
0xe4: {  	v44 =	vshll.u32 v3, $0x4  }
0xe5: {  	v3 =	vand.u32 $0x7, v3;
	v4 =	vand.u32 $0xFFFFFF80, v44  }
0xe6: {  	v3 =	vor.u32 v3, v4  }
0xe7: {  	v4 =	vperm.xlane v3, v0;
	_ =	sdelay $0x1  }
0xe8: {  	v4 =	vadd.s32 v1, v4;
	_ =	sdelay $0x3  }
0xe9: {  	s24 =	rddreg [dreg:$0x3];
	s25 =	simm.s32 $0xB000  }
0xea: {  	[hbm4b:s24+s29] =	stream.indirect_vreg.scatter [tilespmem:s25], [sflag:$0x3], $0x80, v4, vm0, $0xb8;
	[tilespmem:$0x13000] =	vst v63  }
0xeb: {  	s28 =	simm.s32 $0xB800  }
0xec: {  	[hbm4b:s15+s29] =	stream.indirect_vreg.scatter [tilespmem:s28], [sflag:$0x3], $0x80, v4, vm0, $0xb8;
	[tilespmem:$0x13000] =	vst v63  }
0xed: {  	s26 =	simm.s32 $0xC000  }
0xee: {  	[hbm4b:s16+s29] =	stream.indirect_vreg.scatter [tilespmem:s26], [sflag:$0x3], $0x80, v4, vm0, $0xb8;
	[tilespmem:$0x13000] =	vst v63  }
0xef: {  	s14 =	simm.s32 $0xC800  }
0xf0: {  	[hbm4b:s17+s29] =	stream.indirect_vreg.scatter [tilespmem:s14], [sflag:$0x3], $0x80, v4, vm0, $0xb8;
	[tilespmem:$0x13000] =	vst v63  }
0xf1: {  	s1 =	simm.s32 $0xD000  }
0xf2: {  	[hbm4b:s18+s29] =	stream.indirect_vreg.scatter [tilespmem:s1], [sflag:$0x3], $0x80, v4, vm0, $0xb8;
	[tilespmem:$0x13000] =	vst v63  }
0xf3: {  	s30 =	simm.s32 $0xD800;
	v3 =	vperm.xlane v3, v2  }
0xf4: {  	[hbm4b:s19+s29] =	stream.indirect_vreg.scatter [tilespmem:s30], [sflag:$0x3], $0x80, v4, vm0, $0xb8;
	[tilespmem:$0x13000] =	vst v63  }
0xf5: {  	s3 =	simm.s32 $0xE000;
	v3 =	vadd.s32 v1, v3  }
0xf6: {  	[hbm4b:s20+s29] =	stream.indirect_vreg.scatter [tilespmem:s3], [sflag:$0x3], $0x80, v4, vm0, $0xb8;
	[tilespmem:$0x13000] =	vst v63  }
0xf7: {  	s4 =	simm.s32 $0xE800  }
0xf8: {  	[hbm4b:s23+s29] =	stream.indirect_vreg.scatter [tilespmem:s4], [sflag:$0x3], $0x80, v4, vm0, $0xb8;
	[tilespmem:$0x13000] =	vst v63  }
0xf9: {  	s13 =	simm.s32 $0xF000  }
0xfa: {  	[hbm4b:s24+s29] =	stream.indirect_vreg.scatter [tilespmem:s13], [sflag:$0x3], $0x80, v3, vm0, $0xb8;
	[tilespmem:$0x13000] =	vst v63  }
0xfb: {  	s21 =	simm.s32 $0xF800  }
0xfc: {  	[hbm4b:s15+s29] =	stream.indirect_vreg.scatter [tilespmem:s21], [sflag:$0x3], $0x80, v3, vm0, $0xb8;
	[tilespmem:$0x13000] =	vst v63  }
0xfd: {  	s22 =	simm.s32 $0x10000  }
0xfe: {  	[hbm4b:s16+s29] =	stream.indirect_vreg.scatter [tilespmem:s22], [sflag:$0x3], $0x80, v3, vm0, $0xb8;
	[tilespmem:$0x13000] =	vst v63  }
0xff: {  	s30 =	simm.s32 $0x10800  }
0x100: {  	[hbm4b:s17+s29] =	stream.indirect_vreg.scatter [tilespmem:s30], [sflag:$0x3], $0x80, v3, vm0, $0xb8;
	[tilespmem:$0x13000] =	vst v63  }
0x101: {  	s6 =	simm.s32 $0x11000  }
0x102: {  	[hbm4b:s18+s29] =	stream.indirect_vreg.scatter [tilespmem:s6], [sflag:$0x3], $0x80, v3, vm0, $0xb8;
	[tilespmem:$0x13000] =	vst v63  }
0x103: {  	s24 =	simm.s32 $0x11800  }
0x104: {  	[hbm4b:s19+s29] =	stream.indirect_vreg.scatter [tilespmem:s24], [sflag:$0x3], $0x80, v3, vm0, $0xb8;
	[tilespmem:$0x13000] =	vst v63  }
0x105: {  	s26 =	simm.s32 $0x12000  }
0x106: {  	[hbm4b:s20+s29] =	stream.indirect_vreg.scatter [tilespmem:s26], [sflag:$0x3], $0x80, v3, vm0, $0xb8;
	[tilespmem:$0x13000] =	vst v63  }
0x107: {  	s31 =	simm.s32 $0x12800  }
0x108: {  	[hbm4b:s23+s29] =	stream.indirect_vreg.scatter [tilespmem:s31], [sflag:$0x3], $0x80, v3, vm0, $0xb8;
	[tilespmem:$0x13000] =	vst v63  }
0x109: {  	s31 =	simm.s32 $0x3  }
0x10a: {  	_ =	swait.ge [sflag:s31], $0x8000  }
0x10b: {  	[sflag:s31] =	ssyncset.done $0x0  }
0x10c: {  	[sflag:s31] =	ssyncadd.s32 $0xFFFF8000;
	s31 =	simm.s32 $0x1  }
0x10d: {  	_ =	swait.ge [sflag:s31], $0x8000  }
0x10e: {  	[sflag:s31] =	ssyncset.done $0x0  }
0x10f: {  	s5 =	rddreg [dreg:$0xf];
	[sflag:s31] =	ssyncadd.s32 $0xFFFF8000  }
0x110: {  	v3 =	vld [tilespmem:s5+$0x0];
	_ =	sdelay $0x4  }
0x111: {  	v45 =	vshll.u32 v3, $0x4  }
0x112: {  	v3 =	vand.u32 $0x7, v3;
	v4 =	vand.u32 $0xFFFFFF80, v45  }
0x113: {  	v3 =	vor.u32 v3, v4  }
0x114: {  	v4 =	vperm.xlane v3, v0;
	_ =	sdelay $0x1  }
0x115: {  	v4 =	vadd.s32 v1, v4;
	_ =	sdelay $0x3  }
0x116: {  	s31 =	rddreg [dreg:$0x0]  }
0x117: {  	[tilespmem:s25], [sflag:$0x2] =	stream.indirect_vreg.gather [hbm4b:s31+s29], $0x80, v4, vm0, $0xb8;
	[tilespmem:$0x13000] =	vst v63  }
0x118: {  	_ = 	snop  }
0x119: {  	[tilespmem:s28], [sflag:$0x2] =	stream.indirect_vreg.gather [hbm4b:s7+s29], $0x80, v4, vm0, $0xb8;
	[tilespmem:$0x13000] =	vst v63  }
0x11a: {  	s28 =	simm.s32 $0xC000  }
0x11b: {  	[tilespmem:s28], [sflag:$0x2] =	stream.indirect_vreg.gather [hbm4b:s8+s29], $0x80, v4, vm0, $0xb8;
	[tilespmem:$0x13000] =	vst v63  }
0x11c: {  	_ = 	snop  }
0x11d: {  	[tilespmem:s14], [sflag:$0x2] =	stream.indirect_vreg.gather [hbm4b:s9+s29], $0x80, v4, vm0, $0xb8;
	[tilespmem:$0x13000] =	vst v63  }
0x11e: {  	_ = 	snop  }
0x11f: {  	[tilespmem:s1], [sflag:$0x2] =	stream.indirect_vreg.gather [hbm4b:s10+s29], $0x80, v4, vm0, $0xb8;
	[tilespmem:$0x13000] =	vst v63  }
0x120: {  	v3 =	vperm.xlane v3, v2;
	s28 =	simm.s32 $0xD800  }
0x121: {  	[tilespmem:s28], [sflag:$0x2] =	stream.indirect_vreg.gather [hbm4b:s11+s29], $0x80, v4, vm0, $0xb8;
	[tilespmem:$0x13000] =	vst v63  }
0x122: {  	v3 =	vadd.s32 v1, v3  }
0x123: {  	[tilespmem:s3], [sflag:$0x2] =	stream.indirect_vreg.gather [hbm4b:s12+s29], $0x80, v4, vm0, $0xb8;
	[tilespmem:$0x13000] =	vst v63  }
0x124: {  	_ = 	snop  }
0x125: {  	[tilespmem:s4], [sflag:$0x2] =	stream.indirect_vreg.gather [hbm4b:s0+s29], $0x80, v4, vm0, $0xb8;
	[tilespmem:$0x13000] =	vst v63  }
0x126: {  	_ = 	snop  }
0x127: {  	[tilespmem:s13], [sflag:$0x2] =	stream.indirect_vreg.gather [hbm4b:s31+s29], $0x80, v3, vm0, $0xb8;
	[tilespmem:$0x13000] =	vst v63  }
0x128: {  	_ = 	snop  }
0x129: {  	[tilespmem:s21], [sflag:$0x2] =	stream.indirect_vreg.gather [hbm4b:s7+s29], $0x80, v3, vm0, $0xb8;
	[tilespmem:$0x13000] =	vst v63  }
0x12a: {  	_ = 	snop  }
0x12b: {  	[tilespmem:s22], [sflag:$0x2] =	stream.indirect_vreg.gather [hbm4b:s8+s29], $0x80, v3, vm0, $0xb8;
	[tilespmem:$0x13000] =	vst v63  }
0x12c: {  	_ = 	snop  }
0x12d: {  	[tilespmem:s30], [sflag:$0x2] =	stream.indirect_vreg.gather [hbm4b:s9+s29], $0x80, v3, vm0, $0xb8;
	[tilespmem:$0x13000] =	vst v63  }
0x12e: {  	_ = 	snop  }
0x12f: {  	[tilespmem:s6], [sflag:$0x2] =	stream.indirect_vreg.gather [hbm4b:s10+s29], $0x80, v3, vm0, $0xb8;
	[tilespmem:$0x13000] =	vst v63  }
0x130: {  	_ = 	snop  }
0x131: {  	[tilespmem:s24], [sflag:$0x2] =	stream.indirect_vreg.gather [hbm4b:s11+s29], $0x80, v3, vm0, $0xb8;
	[tilespmem:$0x13000] =	vst v63  }
0x132: {  	_ = 	snop  }
0x133: {  	[tilespmem:s26], [sflag:$0x2] =	stream.indirect_vreg.gather [hbm4b:s12+s29], $0x80, v3, vm0, $0xb8;
	[tilespmem:$0x13000] =	vst v63  }
0x134: {  	s30 =	simm.s32 $0x12800  }
0x135: {  	[tilespmem:s30], [sflag:$0x2] =	stream.indirect_vreg.gather [hbm4b:s0+s29], $0x80, v3, vm0, $0xb8;
	[tilespmem:$0x13000] =	vst v63  }
0x136: {  	v3 =	vld [tilespmem:s2+$0x1000];
	_ =	sdelay $0x4  }
0x137: {  	v46 =	vshll.u32 v3, $0x4  }
0x138: {  	v3 =	vand.u32 $0x7, v3;
	v4 =	vand.u32 $0xFFFFFF80, v46  }
0x139: {  	v3 =	vor.u32 v3, v4  }
0x13a: {  	v4 =	vperm.xlane v3, v0;
	_ =	sdelay $0x1  }
0x13b: {  	v4 =	vadd.s32 v1, v4;
	_ =	sdelay $0x3  }
0x13c: {  	s3 =	simm.s32 $0x3000;
	s31 =	rddreg [dreg:$0x3]  }
0x13d: {  	[hbm4b:s31+s29] =	stream.indirect_vreg.scatter [tilespmem:s3], [sflag:$0x3], $0x80, v4, vm0, $0xb8;
	[tilespmem:$0x13000] =	vst v63  }
0x13e: {  	s25 =	simm.s32 $0x3800  }
0x13f: {  	[hbm4b:s15+s29] =	stream.indirect_vreg.scatter [tilespmem:s25], [sflag:$0x3], $0x80, v4, vm0, $0xb8;
	[tilespmem:$0x13000] =	vst v63  }
0x140: {  	s24 =	simm.s32 $0x4000  }
0x141: {  	[hbm4b:s16+s29] =	stream.indirect_vreg.scatter [tilespmem:s24], [sflag:$0x3], $0x80, v4, vm0, $0xb8;
	[tilespmem:$0x13000] =	vst v63  }
0x142: {  	s22 =	simm.s32 $0x4800  }
0x143: {  	[hbm4b:s17+s29] =	stream.indirect_vreg.scatter [tilespmem:s22], [sflag:$0x3], $0x80, v4, vm0, $0xb8;
	[tilespmem:$0x13000] =	vst v63  }
0x144: {  	s13 =	simm.s32 $0x5000  }
0x145: {  	[hbm4b:s18+s29] =	stream.indirect_vreg.scatter [tilespmem:s13], [sflag:$0x3], $0x80, v4, vm0, $0xb8;
	[tilespmem:$0x13000] =	vst v63  }
0x146: {  	s4 =	simm.s32 $0x5800;
	v3 =	vperm.xlane v3, v2  }
0x147: {  	[hbm4b:s19+s29] =	stream.indirect_vreg.scatter [tilespmem:s4], [sflag:$0x3], $0x80, v4, vm0, $0xb8;
	[tilespmem:$0x13000] =	vst v63  }
0x148: {  	s21 =	simm.s32 $0x6000;
	v3 =	vadd.s32 v1, v3  }
0x149: {  	[hbm4b:s20+s29] =	stream.indirect_vreg.scatter [tilespmem:s21], [sflag:$0x3], $0x80, v4, vm0, $0xb8;
	[tilespmem:$0x13000] =	vst v63  }
0x14a: {  	s30 =	simm.s32 $0x6800  }
0x14b: {  	[hbm4b:s23+s29] =	stream.indirect_vreg.scatter [tilespmem:s30], [sflag:$0x3], $0x80, v4, vm0, $0xb8;
	[tilespmem:$0x13000] =	vst v63  }
0x14c: {  	s6 =	simm.s32 $0x7000  }
0x14d: {  	[hbm4b:s31+s29] =	stream.indirect_vreg.scatter [tilespmem:s6], [sflag:$0x3], $0x80, v3, vm0, $0xb8;
	[tilespmem:$0x13000] =	vst v63  }
0x14e: {  	s26 =	simm.s32 $0x7800  }
0x14f: {  	[hbm4b:s15+s29] =	stream.indirect_vreg.scatter [tilespmem:s26], [sflag:$0x3], $0x80, v3, vm0, $0xb8;
	[tilespmem:$0x13000] =	vst v63  }
0x150: {  	s28 =	simm.s32 $0x8000  }
0x151: {  	[hbm4b:s16+s29] =	stream.indirect_vreg.scatter [tilespmem:s28], [sflag:$0x3], $0x80, v3, vm0, $0xb8;
	[tilespmem:$0x13000] =	vst v63  }
0x152: {  	s2 =	simm.s32 $0x8800  }
0x153: {  	[hbm4b:s17+s29] =	stream.indirect_vreg.scatter [tilespmem:s2], [sflag:$0x3], $0x80, v3, vm0, $0xb8;
	[tilespmem:$0x13000] =	vst v63  }
0x154: {  	s14 =	simm.s32 $0x9000  }
0x155: {  	[hbm4b:s18+s29] =	stream.indirect_vreg.scatter [tilespmem:s14], [sflag:$0x3], $0x80, v3, vm0, $0xb8;
	[tilespmem:$0x13000] =	vst v63  }
0x156: {  	s14 =	simm.s32 $0x9800  }
0x157: {  	[hbm4b:s19+s29] =	stream.indirect_vreg.scatter [tilespmem:s14], [sflag:$0x3], $0x80, v3, vm0, $0xb8;
	[tilespmem:$0x13000] =	vst v63  }
0x158: {  	s31 =	simm.s32 $0xA000  }
0x159: {  	[hbm4b:s20+s29] =	stream.indirect_vreg.scatter [tilespmem:s31], [sflag:$0x3], $0x80, v3, vm0, $0xb8;
	[tilespmem:$0x13000] =	vst v63  }
0x15a: {  	s2 =	simm.s32 $0xA800;
	s31 =	simm.s32 $0x3  }
0x15b: {  	[hbm4b:s23+s29] =	stream.indirect_vreg.scatter [tilespmem:s2], [sflag:$0x3], $0x80, v3, vm0, $0xb8;
	[tilespmem:$0x13000] =	vst v63  }
0x15c: {  	_ =	swait.ge [sflag:s31], $0x8000  }
0x15d: {  	[sflag:s31] =	ssyncset.done $0x0  }
0x15e: {  	s2 =	simm.s32 $0x2;
	[sflag:s31] =	ssyncadd.s32 $0xFFFF8000  }
0x15f: {  	_ =	swait.ge [sflag:s2], $0x8000  }
0x160: {  	[sflag:s2] =	ssyncset.done $0x0  }
0x161: {  	[sflag:s2] =	ssyncadd.s32 $0xFFFF8000;
	s2 =	rddreg [dreg:$0x10]  }
0x162: {  	v3 =	vld [tilespmem:s2+$0x0];
	_ =	sdelay $0x4  }
0x163: {  	v47 =	vshll.u32 v3, $0x4  }
0x164: {  	v3 =	vand.u32 $0x7, v3;
	v4 =	vand.u32 $0xFFFFFF80, v47  }
0x165: {  	v3 =	vor.u32 v3, v4  }
0x166: {  	v4 =	vperm.xlane v3, v0;
	_ =	sdelay $0x1  }
0x167: {  	v4 =	vadd.s32 v1, v4;
	_ =	sdelay $0x3  }
0x168: {  	s1 =	rddreg [dreg:$0x0]  }
0x169: {  	[tilespmem:s3], [sflag:$0x1] =	stream.indirect_vreg.gather [hbm4b:s1+s29], $0x80, v4, vm0, $0xb8;
	[tilespmem:$0x13000] =	vst v63  }
0x16a: {  	_ = 	snop  }
0x16b: {  	[tilespmem:s25], [sflag:$0x1] =	stream.indirect_vreg.gather [hbm4b:s7+s29], $0x80, v4, vm0, $0xb8;
	[tilespmem:$0x13000] =	vst v63  }
0x16c: {  	_ = 	snop  }
0x16d: {  	[tilespmem:s24], [sflag:$0x1] =	stream.indirect_vreg.gather [hbm4b:s8+s29], $0x80, v4, vm0, $0xb8;
	[tilespmem:$0x13000] =	vst v63  }
0x16e: {  	_ = 	snop  }
0x16f: {  	[tilespmem:s22], [sflag:$0x1] =	stream.indirect_vreg.gather [hbm4b:s9+s29], $0x80, v4, vm0, $0xb8;
	[tilespmem:$0x13000] =	vst v63  }
0x170: {  	_ = 	snop  }
0x171: {  	[tilespmem:s13], [sflag:$0x1] =	stream.indirect_vreg.gather [hbm4b:s10+s29], $0x80, v4, vm0, $0xb8;
	[tilespmem:$0x13000] =	vst v63  }
0x172: {  	v3 =	vperm.xlane v3, v2  }
0x173: {  	[tilespmem:s4], [sflag:$0x1] =	stream.indirect_vreg.gather [hbm4b:s11+s29], $0x80, v4, vm0, $0xb8;
	[tilespmem:$0x13000] =	vst v63  }
0x174: {  	v3 =	vadd.s32 v1, v3  }
0x175: {  	[tilespmem:s21], [sflag:$0x1] =	stream.indirect_vreg.gather [hbm4b:s12+s29], $0x80, v4, vm0, $0xb8;
	[tilespmem:$0x13000] =	vst v63  }
0x176: {  	_ = 	snop  }
0x177: {  	[tilespmem:s30], [sflag:$0x1] =	stream.indirect_vreg.gather [hbm4b:s0+s29], $0x80, v4, vm0, $0xb8;
	[tilespmem:$0x13000] =	vst v63  }
0x178: {  	_ = 	snop  }
0x179: {  	[tilespmem:s6], [sflag:$0x1] =	stream.indirect_vreg.gather [hbm4b:s1+s29], $0x80, v3, vm0, $0xb8;
	[tilespmem:$0x13000] =	vst v63  }
0x17a: {  	_ = 	snop  }
0x17b: {  	[tilespmem:s26], [sflag:$0x1] =	stream.indirect_vreg.gather [hbm4b:s7+s29], $0x80, v3, vm0, $0xb8;
	[tilespmem:$0x13000] =	vst v63  }
0x17c: {  	_ = 	snop  }
0x17d: {  	[tilespmem:s28], [sflag:$0x1] =	stream.indirect_vreg.gather [hbm4b:s8+s29], $0x80, v3, vm0, $0xb8;
	[tilespmem:$0x13000] =	vst v63  }
0x17e: {  	s6 =	simm.s32 $0x8800  }
0x17f: {  	[tilespmem:s6], [sflag:$0x1] =	stream.indirect_vreg.gather [hbm4b:s9+s29], $0x80, v3, vm0, $0xb8;
	[tilespmem:$0x13000] =	vst v63  }
0x180: {  	s13 =	simm.s32 $0x9000  }
0x181: {  	[tilespmem:s13], [sflag:$0x1] =	stream.indirect_vreg.gather [hbm4b:s10+s29], $0x80, v3, vm0, $0xb8;
	[tilespmem:$0x13000] =	vst v63  }
0x182: {  	_ = 	snop  }
0x183: {  	[tilespmem:s14], [sflag:$0x1] =	stream.indirect_vreg.gather [hbm4b:s11+s29], $0x80, v3, vm0, $0xb8;
	[tilespmem:$0x13000] =	vst v63  }
0x184: {  	s21 =	simm.s32 $0xA000  }
0x185: {  	[tilespmem:s21], [sflag:$0x1] =	stream.indirect_vreg.gather [hbm4b:s12+s29], $0x80, v3, vm0, $0xb8;
	[tilespmem:$0x13000] =	vst v63  }
0x186: {  	s22 =	simm.s32 $0xA800  }
0x187: {  	[tilespmem:s22], [sflag:$0x1] =	stream.indirect_vreg.gather [hbm4b:s0+s29], $0x80, v3, vm0, $0xb8;
	[tilespmem:$0x13000] =	vst v63  }
0x188: {  	v3 =	vld [tilespmem:s5+$0x1000];
	_ =	sdelay $0x4  }
0x189: {  	v48 =	vshll.u32 v3, $0x4  }
0x18a: {  	v3 =	vand.u32 $0x7, v3;
	v4 =	vand.u32 $0xFFFFFF80, v48  }
0x18b: {  	v3 =	vor.u32 v3, v4  }
0x18c: {  	v4 =	vperm.xlane v3, v0;
	_ =	sdelay $0x1  }
0x18d: {  	v4 =	vadd.s32 v1, v4;
	_ =	sdelay $0x3  }
0x18e: {  	s24 =	rddreg [dreg:$0x3];
	s4 =	smov.u32 s1;
	s1 =	simm.s32 $0xB000  }
0x18f: {  	[hbm4b:s24+s29] =	stream.indirect_vreg.scatter [tilespmem:s1], [sflag:$0x3], $0x80, v4, vm0, $0xb8;
	[tilespmem:$0x13000] =	vst v63  }
0x190: {  	s26 =	simm.s32 $0xB800  }
0x191: {  	[hbm4b:s15+s29] =	stream.indirect_vreg.scatter [tilespmem:s26], [sflag:$0x3], $0x80, v4, vm0, $0xb8;
	[tilespmem:$0x13000] =	vst v63  }
0x192: {  	s28 =	simm.s32 $0xC000  }
0x193: {  	[hbm4b:s16+s29] =	stream.indirect_vreg.scatter [tilespmem:s28], [sflag:$0x3], $0x80, v4, vm0, $0xb8;
	[tilespmem:$0x13000] =	vst v63  }
0x194: {  	s30 =	simm.s32 $0xC800  }
0x195: {  	[hbm4b:s17+s29] =	stream.indirect_vreg.scatter [tilespmem:s30], [sflag:$0x3], $0x80, v4, vm0, $0xb8;
	[tilespmem:$0x13000] =	vst v63  }
0x196: {  	s25 =	simm.s32 $0xD000  }
0x197: {  	[hbm4b:s18+s29] =	stream.indirect_vreg.scatter [tilespmem:s25], [sflag:$0x3], $0x80, v4, vm0, $0xb8;
	[tilespmem:$0x13000] =	vst v63  }
0x198: {  	s21 =	simm.s32 $0xD800;
	v3 =	vperm.xlane v3, v2  }
0x199: {  	[hbm4b:s19+s29] =	stream.indirect_vreg.scatter [tilespmem:s21], [sflag:$0x3], $0x80, v4, vm0, $0xb8;
	[tilespmem:$0x13000] =	vst v63  }
0x19a: {  	v3 =	vadd.s32 v1, v3;
	s25 =	simm.s32 $0xE000  }
0x19b: {  	[hbm4b:s20+s29] =	stream.indirect_vreg.scatter [tilespmem:s25], [sflag:$0x3], $0x80, v4, vm0, $0xb8;
	[tilespmem:$0x13000] =	vst v63  }
0x19c: {  	s6 =	simm.s32 $0xE800  }
0x19d: {  	[hbm4b:s23+s29] =	stream.indirect_vreg.scatter [tilespmem:s6], [sflag:$0x3], $0x80, v4, vm0, $0xb8;
	[tilespmem:$0x13000] =	vst v63  }
0x19e: {  	s13 =	simm.s32 $0xF000  }
0x19f: {  	[hbm4b:s24+s29] =	stream.indirect_vreg.scatter [tilespmem:s13], [sflag:$0x3], $0x80, v3, vm0, $0xb8;
	[tilespmem:$0x13000] =	vst v63  }
0x1a0: {  	s6 =	simm.s32 $0xF800  }
0x1a1: {  	[hbm4b:s15+s29] =	stream.indirect_vreg.scatter [tilespmem:s6], [sflag:$0x3], $0x80, v3, vm0, $0xb8;
	[tilespmem:$0x13000] =	vst v63  }
0x1a2: {  	s22 =	simm.s32 $0x10000  }
0x1a3: {  	[hbm4b:s16+s29] =	stream.indirect_vreg.scatter [tilespmem:s22], [sflag:$0x3], $0x80, v3, vm0, $0xb8;
	[tilespmem:$0x13000] =	vst v63  }
0x1a4: {  	s14 =	simm.s32 $0x10800  }
0x1a5: {  	[hbm4b:s17+s29] =	stream.indirect_vreg.scatter [tilespmem:s14], [sflag:$0x3], $0x80, v3, vm0, $0xb8;
	[tilespmem:$0x13000] =	vst v63  }
0x1a6: {  	s24 =	simm.s32 $0x11000  }
0x1a7: {  	[hbm4b:s18+s29] =	stream.indirect_vreg.scatter [tilespmem:s24], [sflag:$0x3], $0x80, v3, vm0, $0xb8;
	[tilespmem:$0x13000] =	vst v63  }
0x1a8: {  	s24 =	simm.s32 $0x11800  }
0x1a9: {  	[hbm4b:s19+s29] =	stream.indirect_vreg.scatter [tilespmem:s24], [sflag:$0x3], $0x80, v3, vm0, $0xb8;
	[tilespmem:$0x13000] =	vst v63  }
0x1aa: {  	s13 =	simm.s32 $0x12000  }
0x1ab: {  	[hbm4b:s20+s29] =	stream.indirect_vreg.scatter [tilespmem:s13], [sflag:$0x3], $0x80, v3, vm0, $0xb8;
	[tilespmem:$0x13000] =	vst v63  }
0x1ac: {  	s31 =	simm.s32 $0x3;
	s14 =	simm.s32 $0x12800  }
0x1ad: {  	[hbm4b:s23+s29] =	stream.indirect_vreg.scatter [tilespmem:s14], [sflag:$0x3], $0x80, v3, vm0, $0xb8;
	[tilespmem:$0x13000] =	vst v63  }
0x1ae: {  	_ =	swait.ge [sflag:s31], $0x8000  }
0x1af: {  	[sflag:s31] =	ssyncset.done $0x0  }
0x1b0: {  	s5 =	simm.s32 $0x1;
	[sflag:s31] =	ssyncadd.s32 $0xFFFF8000  }
0x1b1: {  	_ =	swait.ge [sflag:s5], $0x8000  }
0x1b2: {  	[sflag:s5] =	ssyncset.done $0x0  }
0x1b3: {  	[sflag:s5] =	ssyncadd.s32 $0xFFFF8000;
	s5 =	rddreg [dreg:$0x12]  }
0x1b4: {  	v3 =	vld [tilespmem:s5+$0x0];
	_ =	sdelay $0x4  }
0x1b5: {  	v49 =	vshll.u32 v3, $0x4  }
0x1b6: {  	v3 =	vand.u32 $0x7, v3;
	v4 =	vand.u32 $0xFFFFFF80, v49  }
0x1b7: {  	v3 =	vor.u32 v3, v4  }
0x1b8: {  	v4 =	vperm.xlane v3, v0;
	_ =	sdelay $0x1  }
0x1b9: {  	v4 =	vadd.s32 v1, v4;
	_ =	sdelay $0x4  }
0x1ba: {  	[tilespmem:s1], [sflag:$0x2] =	stream.indirect_vreg.gather [hbm4b:s4+s29], $0x80, v4, vm0, $0xb8;
	[tilespmem:$0x13000] =	vst v63  }
0x1bb: {  	_ = 	snop  }
0x1bc: {  	[tilespmem:s26], [sflag:$0x2] =	stream.indirect_vreg.gather [hbm4b:s7+s29], $0x80, v4, vm0, $0xb8;
	[tilespmem:$0x13000] =	vst v63  }
0x1bd: {  	_ = 	snop  }
0x1be: {  	[tilespmem:s28], [sflag:$0x2] =	stream.indirect_vreg.gather [hbm4b:s8+s29], $0x80, v4, vm0, $0xb8;
	[tilespmem:$0x13000] =	vst v63  }
0x1bf: {  	_ = 	snop  }
0x1c0: {  	[tilespmem:s30], [sflag:$0x2] =	stream.indirect_vreg.gather [hbm4b:s9+s29], $0x80, v4, vm0, $0xb8;
	[tilespmem:$0x13000] =	vst v63  }
0x1c1: {  	s28 =	simm.s32 $0xD000  }
0x1c2: {  	[tilespmem:s28], [sflag:$0x2] =	stream.indirect_vreg.gather [hbm4b:s10+s29], $0x80, v4, vm0, $0xb8;
	[tilespmem:$0x13000] =	vst v63  }
0x1c3: {  	v3 =	vperm.xlane v3, v2  }
0x1c4: {  	[tilespmem:s21], [sflag:$0x2] =	stream.indirect_vreg.gather [hbm4b:s11+s29], $0x80, v4, vm0, $0xb8;
	[tilespmem:$0x13000] =	vst v63  }
0x1c5: {  	v3 =	vadd.s32 v1, v3  }
0x1c6: {  	[tilespmem:s25], [sflag:$0x2] =	stream.indirect_vreg.gather [hbm4b:s12+s29], $0x80, v4, vm0, $0xb8;
	[tilespmem:$0x13000] =	vst v63  }
0x1c7: {  	s30 =	simm.s32 $0xE800  }
0x1c8: {  	[tilespmem:s30], [sflag:$0x2] =	stream.indirect_vreg.gather [hbm4b:s0+s29], $0x80, v4, vm0, $0xb8;
	[tilespmem:$0x13000] =	vst v63  }
0x1c9: {  	s3 =	simm.s32 $0xF000  }
0x1ca: {  	[tilespmem:s3], [sflag:$0x2] =	stream.indirect_vreg.gather [hbm4b:s4+s29], $0x80, v3, vm0, $0xb8;
	[tilespmem:$0x13000] =	vst v63  }
0x1cb: {  	_ = 	snop  }
0x1cc: {  	[tilespmem:s6], [sflag:$0x2] =	stream.indirect_vreg.gather [hbm4b:s7+s29], $0x80, v3, vm0, $0xb8;
	[tilespmem:$0x13000] =	vst v63  }
0x1cd: {  	_ = 	snop  }
0x1ce: {  	[tilespmem:s22], [sflag:$0x2] =	stream.indirect_vreg.gather [hbm4b:s8+s29], $0x80, v3, vm0, $0xb8;
	[tilespmem:$0x13000] =	vst v63  }
0x1cf: {  	s21 =	simm.s32 $0x10800  }
0x1d0: {  	[tilespmem:s21], [sflag:$0x2] =	stream.indirect_vreg.gather [hbm4b:s9+s29], $0x80, v3, vm0, $0xb8;
	[tilespmem:$0x13000] =	vst v63  }
0x1d1: {  	s22 =	simm.s32 $0x11000  }
0x1d2: {  	[tilespmem:s22], [sflag:$0x2] =	stream.indirect_vreg.gather [hbm4b:s10+s29], $0x80, v3, vm0, $0xb8;
	[tilespmem:$0x13000] =	vst v63  }
0x1d3: {  	_ = 	snop  }
0x1d4: {  	[tilespmem:s24], [sflag:$0x2] =	stream.indirect_vreg.gather [hbm4b:s11+s29], $0x80, v3, vm0, $0xb8;
	[tilespmem:$0x13000] =	vst v63  }
0x1d5: {  	_ = 	snop  }
0x1d6: {  	[tilespmem:s13], [sflag:$0x2] =	stream.indirect_vreg.gather [hbm4b:s12+s29], $0x80, v3, vm0, $0xb8;
	[tilespmem:$0x13000] =	vst v63  }
0x1d7: {  	_ = 	snop  }
0x1d8: {  	[tilespmem:s14], [sflag:$0x2] =	stream.indirect_vreg.gather [hbm4b:s0+s29], $0x80, v3, vm0, $0xb8;
	[tilespmem:$0x13000] =	vst v63  }
0x1d9: {  	v3 =	vld [tilespmem:s2+$0x1000];
	_ =	sdelay $0x4  }
0x1da: {  	v50 =	vshll.u32 v3, $0x4  }
0x1db: {  	v3 =	vand.u32 $0x7, v3;
	v4 =	vand.u32 $0xFFFFFF80, v50  }
0x1dc: {  	v3 =	vor.u32 v3, v4  }
0x1dd: {  	v4 =	vperm.xlane v3, v0;
	_ =	sdelay $0x1  }
0x1de: {  	v4 =	vadd.s32 v1, v4;
	_ =	sdelay $0x3  }
0x1df: {  	s25 =	rddreg [dreg:$0x3];
	s3 =	simm.s32 $0x3000  }
0x1e0: {  	[hbm4b:s25+s29] =	stream.indirect_vreg.scatter [tilespmem:s3], [sflag:$0x3], $0x80, v4, vm0, $0xb8;
	[tilespmem:$0x13000] =	vst v63  }
0x1e1: {  	s22 =	simm.s32 $0x3800  }
0x1e2: {  	[hbm4b:s15+s29] =	stream.indirect_vreg.scatter [tilespmem:s22], [sflag:$0x3], $0x80, v4, vm0, $0xb8;
	[tilespmem:$0x13000] =	vst v63  }
0x1e3: {  	s28 =	simm.s32 $0x4000  }
0x1e4: {  	[hbm4b:s16+s29] =	stream.indirect_vreg.scatter [tilespmem:s28], [sflag:$0x3], $0x80, v4, vm0, $0xb8;
	[tilespmem:$0x13000] =	vst v63  }
0x1e5: {  	s21 =	simm.s32 $0x4800  }
0x1e6: {  	[hbm4b:s17+s29] =	stream.indirect_vreg.scatter [tilespmem:s21], [sflag:$0x3], $0x80, v4, vm0, $0xb8;
	[tilespmem:$0x13000] =	vst v63  }
0x1e7: {  	s6 =	simm.s32 $0x5000  }
0x1e8: {  	[hbm4b:s18+s29] =	stream.indirect_vreg.scatter [tilespmem:s6], [sflag:$0x3], $0x80, v4, vm0, $0xb8;
	[tilespmem:$0x13000] =	vst v63  }
0x1e9: {  	s30 =	simm.s32 $0x5800;
	v3 =	vperm.xlane v3, v2  }
0x1ea: {  	[hbm4b:s19+s29] =	stream.indirect_vreg.scatter [tilespmem:s30], [sflag:$0x3], $0x80, v4, vm0, $0xb8;
	[tilespmem:$0x13000] =	vst v63  }
0x1eb: {  	s13 =	simm.s32 $0x6000;
	v3 =	vadd.s32 v1, v3  }
0x1ec: {  	[hbm4b:s20+s29] =	stream.indirect_vreg.scatter [tilespmem:s13], [sflag:$0x3], $0x80, v4, vm0, $0xb8;
	[tilespmem:$0x13000] =	vst v63  }
0x1ed: {  	s26 =	simm.s32 $0x6800  }
0x1ee: {  	[hbm4b:s23+s29] =	stream.indirect_vreg.scatter [tilespmem:s26], [sflag:$0x3], $0x80, v4, vm0, $0xb8;
	[tilespmem:$0x13000] =	vst v63  }
0x1ef: {  	s30 =	simm.s32 $0x7000  }
0x1f0: {  	[hbm4b:s25+s29] =	stream.indirect_vreg.scatter [tilespmem:s30], [sflag:$0x3], $0x80, v3, vm0, $0xb8;
	[tilespmem:$0x13000] =	vst v63  }
0x1f1: {  	s14 =	simm.s32 $0x7800  }
0x1f2: {  	[hbm4b:s15+s29] =	stream.indirect_vreg.scatter [tilespmem:s14], [sflag:$0x3], $0x80, v3, vm0, $0xb8;
	[tilespmem:$0x13000] =	vst v63  }
0x1f3: {  	s25 =	simm.s32 $0x8000  }
0x1f4: {  	[hbm4b:s16+s29] =	stream.indirect_vreg.scatter [tilespmem:s25], [sflag:$0x3], $0x80, v3, vm0, $0xb8;
	[tilespmem:$0x13000] =	vst v63  }
0x1f5: {  	s2 =	simm.s32 $0x8800  }
0x1f6: {  	[hbm4b:s17+s29] =	stream.indirect_vreg.scatter [tilespmem:s2], [sflag:$0x3], $0x80, v3, vm0, $0xb8;
	[tilespmem:$0x13000] =	vst v63  }
0x1f7: {  	s4 =	simm.s32 $0x9000  }
0x1f8: {  	[hbm4b:s18+s29] =	stream.indirect_vreg.scatter [tilespmem:s4], [sflag:$0x3], $0x80, v3, vm0, $0xb8;
	[tilespmem:$0x13000] =	vst v63  }
0x1f9: {  	s24 =	simm.s32 $0x9800  }
0x1fa: {  	[hbm4b:s19+s29] =	stream.indirect_vreg.scatter [tilespmem:s24], [sflag:$0x3], $0x80, v3, vm0, $0xb8;
	[tilespmem:$0x13000] =	vst v63  }
0x1fb: {  	s24 =	simm.s32 $0xA000  }
0x1fc: {  	[hbm4b:s20+s29] =	stream.indirect_vreg.scatter [tilespmem:s24], [sflag:$0x3], $0x80, v3, vm0, $0xb8;
	[tilespmem:$0x13000] =	vst v63  }
0x1fd: {  	s4 =	simm.s32 $0xA800  }
0x1fe: {  	[hbm4b:s23+s29] =	stream.indirect_vreg.scatter [tilespmem:s4], [sflag:$0x3], $0x80, v3, vm0, $0xb8;
	[tilespmem:$0x13000] =	vst v63  }
0x1ff: {  	_ =	swait.ge [sflag:s31], $0x8000  }
0x200: {  	[sflag:s31] =	ssyncset.done $0x0  }
0x201: {  	s2 =	simm.s32 $0x2;
	[sflag:s31] =	ssyncadd.s32 $0xFFFF8000  }
0x202: {  	_ =	swait.ge [sflag:s2], $0x8000  }
0x203: {  	[sflag:s2] =	ssyncset.done $0x0  }
0x204: {  	[sflag:s2] =	ssyncadd.s32 $0xFFFF8000;
	s2 =	rddreg [dreg:$0x13]  }
0x205: {  	v3 =	vld [tilespmem:s2+$0x0];
	_ =	sdelay $0x4  }
0x206: {  	v51 =	vshll.u32 v3, $0x4  }
0x207: {  	v3 =	vand.u32 $0x7, v3;
	v4 =	vand.u32 $0xFFFFFF80, v51  }
0x208: {  	v3 =	vor.u32 v3, v4  }
0x209: {  	v4 =	vperm.xlane v3, v0;
	_ =	sdelay $0x1  }
0x20a: {  	v4 =	vadd.s32 v1, v4;
	_ =	sdelay $0x3  }
0x20b: {  	s1 =	rddreg [dreg:$0x0]  }
0x20c: {  	[tilespmem:s3], [sflag:$0x1] =	stream.indirect_vreg.gather [hbm4b:s1+s29], $0x80, v4, vm0, $0xb8;
	[tilespmem:$0x13000] =	vst v63  }
0x20d: {  	_ = 	snop  }
0x20e: {  	[tilespmem:s22], [sflag:$0x1] =	stream.indirect_vreg.gather [hbm4b:s7+s29], $0x80, v4, vm0, $0xb8;
	[tilespmem:$0x13000] =	vst v63  }
0x20f: {  	_ = 	snop  }
0x210: {  	[tilespmem:s28], [sflag:$0x1] =	stream.indirect_vreg.gather [hbm4b:s8+s29], $0x80, v4, vm0, $0xb8;
	[tilespmem:$0x13000] =	vst v63  }
0x211: {  	_ = 	snop  }
0x212: {  	[tilespmem:s21], [sflag:$0x1] =	stream.indirect_vreg.gather [hbm4b:s9+s29], $0x80, v4, vm0, $0xb8;
	[tilespmem:$0x13000] =	vst v63  }
0x213: {  	_ = 	snop  }
0x214: {  	[tilespmem:s6], [sflag:$0x1] =	stream.indirect_vreg.gather [hbm4b:s10+s29], $0x80, v4, vm0, $0xb8;
	[tilespmem:$0x13000] =	vst v63  }
0x215: {  	v3 =	vperm.xlane v3, v2;
	s6 =	simm.s32 $0x5800  }
0x216: {  	[tilespmem:s6], [sflag:$0x1] =	stream.indirect_vreg.gather [hbm4b:s11+s29], $0x80, v4, vm0, $0xb8;
	[tilespmem:$0x13000] =	vst v63  }
0x217: {  	v3 =	vadd.s32 v1, v3  }
0x218: {  	[tilespmem:s13], [sflag:$0x1] =	stream.indirect_vreg.gather [hbm4b:s12+s29], $0x80, v4, vm0, $0xb8;
	[tilespmem:$0x13000] =	vst v63  }
0x219: {  	_ = 	snop  }
0x21a: {  	[tilespmem:s26], [sflag:$0x1] =	stream.indirect_vreg.gather [hbm4b:s0+s29], $0x80, v4, vm0, $0xb8;
	[tilespmem:$0x13000] =	vst v63  }
0x21b: {  	_ = 	snop  }
0x21c: {  	[tilespmem:s30], [sflag:$0x1] =	stream.indirect_vreg.gather [hbm4b:s1+s29], $0x80, v3, vm0, $0xb8;
	[tilespmem:$0x13000] =	vst v63  }
0x21d: {  	_ = 	snop  }
0x21e: {  	[tilespmem:s14], [sflag:$0x1] =	stream.indirect_vreg.gather [hbm4b:s7+s29], $0x80, v3, vm0, $0xb8;
	[tilespmem:$0x13000] =	vst v63  }
0x21f: {  	_ = 	snop  }
0x220: {  	[tilespmem:s25], [sflag:$0x1] =	stream.indirect_vreg.gather [hbm4b:s8+s29], $0x80, v3, vm0, $0xb8;
	[tilespmem:$0x13000] =	vst v63  }
0x221: {  	s14 =	simm.s32 $0x8800  }
0x222: {  	[tilespmem:s14], [sflag:$0x1] =	stream.indirect_vreg.gather [hbm4b:s9+s29], $0x80, v3, vm0, $0xb8;
	[tilespmem:$0x13000] =	vst v63  }
0x223: {  	s21 =	simm.s32 $0x9000  }
0x224: {  	[tilespmem:s21], [sflag:$0x1] =	stream.indirect_vreg.gather [hbm4b:s10+s29], $0x80, v3, vm0, $0xb8;
	[tilespmem:$0x13000] =	vst v63  }
0x225: {  	s22 =	simm.s32 $0x9800  }
0x226: {  	[tilespmem:s22], [sflag:$0x1] =	stream.indirect_vreg.gather [hbm4b:s11+s29], $0x80, v3, vm0, $0xb8;
	[tilespmem:$0x13000] =	vst v63  }
0x227: {  	_ = 	snop  }
0x228: {  	[tilespmem:s24], [sflag:$0x1] =	stream.indirect_vreg.gather [hbm4b:s12+s29], $0x80, v3, vm0, $0xb8;
	[tilespmem:$0x13000] =	vst v63  }
0x229: {  	_ = 	snop  }
0x22a: {  	[tilespmem:s4], [sflag:$0x1] =	stream.indirect_vreg.gather [hbm4b:s0+s29], $0x80, v3, vm0, $0xb8;
	[tilespmem:$0x13000] =	vst v63  }
0x22b: {  	v3 =	vld [tilespmem:s5+$0x1000];
	_ =	sdelay $0x4  }
0x22c: {  	v52 =	vshll.u32 v3, $0x4  }
0x22d: {  	v3 =	vand.u32 $0x7, v3;
	v4 =	vand.u32 $0xFFFFFF80, v52  }
0x22e: {  	v3 =	vor.u32 v3, v4  }
0x22f: {  	v4 =	vperm.xlane v3, v0;
	_ =	sdelay $0x1  }
0x230: {  	v4 =	vadd.s32 v1, v4;
	_ =	sdelay $0x3  }
0x231: {  	s1 =	simm.s32 $0xB000;
	s25 =	rddreg [dreg:$0x3]  }
0x232: {  	[hbm4b:s25+s29] =	stream.indirect_vreg.scatter [tilespmem:s1], [sflag:$0x3], $0x80, v4, vm0, $0xb8;
	[tilespmem:$0x13000] =	vst v63  }
0x233: {  	s6 =	simm.s32 $0xB800  }
0x234: {  	[hbm4b:s15+s29] =	stream.indirect_vreg.scatter [tilespmem:s6], [sflag:$0x3], $0x80, v4, vm0, $0xb8;
	[tilespmem:$0x13000] =	vst v63  }
0x235: {  	s13 =	simm.s32 $0xC000  }
0x236: {  	[hbm4b:s16+s29] =	stream.indirect_vreg.scatter [tilespmem:s13], [sflag:$0x3], $0x80, v4, vm0, $0xb8;
	[tilespmem:$0x13000] =	vst v63  }
0x237: {  	s21 =	simm.s32 $0xC800  }
0x238: {  	[hbm4b:s17+s29] =	stream.indirect_vreg.scatter [tilespmem:s21], [sflag:$0x3], $0x80, v4, vm0, $0xb8;
	[tilespmem:$0x13000] =	vst v63  }
0x239: {  	s4 =	simm.s32 $0xD000  }
0x23a: {  	[hbm4b:s18+s29] =	stream.indirect_vreg.scatter [tilespmem:s4], [sflag:$0x3], $0x80, v4, vm0, $0xb8;
	[tilespmem:$0x13000] =	vst v63  }
0x23b: {  	s26 =	simm.s32 $0xD800;
	v3 =	vperm.xlane v3, v2  }
0x23c: {  	[hbm4b:s19+s29] =	stream.indirect_vreg.scatter [tilespmem:s26], [sflag:$0x3], $0x80, v4, vm0, $0xb8;
	[tilespmem:$0x13000] =	vst v63  }
0x23d: {  	s22 =	simm.s32 $0xE000;
	v3 =	vadd.s32 v1, v3  }
0x23e: {  	[hbm4b:s20+s29] =	stream.indirect_vreg.scatter [tilespmem:s22], [sflag:$0x3], $0x80, v4, vm0, $0xb8;
	[tilespmem:$0x13000] =	vst v63  }
0x23f: {  	s30 =	simm.s32 $0xE800  }
0x240: {  	[hbm4b:s23+s29] =	stream.indirect_vreg.scatter [tilespmem:s30], [sflag:$0x3], $0x80, v4, vm0, $0xb8;
	[tilespmem:$0x13000] =	vst v63  }
0x241: {  	s14 =	simm.s32 $0xF000  }
0x242: {  	[hbm4b:s25+s29] =	stream.indirect_vreg.scatter [tilespmem:s14], [sflag:$0x3], $0x80, v3, vm0, $0xb8;
	[tilespmem:$0x13000] =	vst v63  }
0x243: {  	s24 =	simm.s32 $0xF800  }
0x244: {  	[hbm4b:s15+s29] =	stream.indirect_vreg.scatter [tilespmem:s24], [sflag:$0x3], $0x80, v3, vm0, $0xb8;
	[tilespmem:$0x13000] =	vst v63  }
0x245: {  	s28 =	simm.s32 $0x10000  }
0x246: {  	[hbm4b:s16+s29] =	stream.indirect_vreg.scatter [tilespmem:s28], [sflag:$0x3], $0x80, v3, vm0, $0xb8;
	[tilespmem:$0x13000] =	vst v63  }
0x247: {  	s25 =	simm.s32 $0x10800  }
0x248: {  	[hbm4b:s17+s29] =	stream.indirect_vreg.scatter [tilespmem:s25], [sflag:$0x3], $0x80, v3, vm0, $0xb8;
	[tilespmem:$0x13000] =	vst v63  }
0x249: {  	s26 =	simm.s32 $0x11000  }
0x24a: {  	[hbm4b:s18+s29] =	stream.indirect_vreg.scatter [tilespmem:s26], [sflag:$0x3], $0x80, v3, vm0, $0xb8;
	[tilespmem:$0x13000] =	vst v63  }
0x24b: {  	s28 =	simm.s32 $0x11800  }
0x24c: {  	[hbm4b:s19+s29] =	stream.indirect_vreg.scatter [tilespmem:s28], [sflag:$0x3], $0x80, v3, vm0, $0xb8;
	[tilespmem:$0x13000] =	vst v63  }
0x24d: {  	s5 =	simm.s32 $0x12000  }
0x24e: {  	[hbm4b:s20+s29] =	stream.indirect_vreg.scatter [tilespmem:s5], [sflag:$0x3], $0x80, v3, vm0, $0xb8;
	[tilespmem:$0x13000] =	vst v63  }
0x24f: {  	s5 =	simm.s32 $0x12800  }
0x250: {  	[hbm4b:s23+s29] =	stream.indirect_vreg.scatter [tilespmem:s5], [sflag:$0x3], $0x80, v3, vm0, $0xb8;
	[tilespmem:$0x13000] =	vst v63  }
0x251: {  	_ =	swait.ge [sflag:s31], $0x8000  }
0x252: {  	[sflag:s31] =	ssyncset.done $0x0  }
0x253: {  	s5 =	simm.s32 $0x1;
	[sflag:s31] =	ssyncadd.s32 $0xFFFF8000  }
0x254: {  	_ =	swait.ge [sflag:s5], $0x8000  }
0x255: {  	[sflag:s5] =	ssyncset.done $0x0  }
0x256: {  	[sflag:s5] =	ssyncadd.s32 $0xFFFF8000;
	s5 =	rddreg [dreg:$0x14]  }
0x257: {  	v3 =	vld [tilespmem:s5+$0x0];
	_ =	sdelay $0x4  }
0x258: {  	v53 =	vshll.u32 v3, $0x4  }
0x259: {  	v3 =	vand.u32 $0x7, v3;
	v4 =	vand.u32 $0xFFFFFF80, v53  }
0x25a: {  	v3 =	vor.u32 v3, v4  }
0x25b: {  	v4 =	vperm.xlane v3, v0;
	_ =	sdelay $0x1  }
0x25c: {  	v4 =	vadd.s32 v1, v4;
	_ =	sdelay $0x3  }
0x25d: {  	s3 =	rddreg [dreg:$0x0]  }
0x25e: {  	[tilespmem:s1], [sflag:$0x2] =	stream.indirect_vreg.gather [hbm4b:s3+s29], $0x80, v4, vm0, $0xb8;
	[tilespmem:$0x13000] =	vst v63  }
0x25f: {  	_ = 	snop  }
0x260: {  	[tilespmem:s6], [sflag:$0x2] =	stream.indirect_vreg.gather [hbm4b:s7+s29], $0x80, v4, vm0, $0xb8;
	[tilespmem:$0x13000] =	vst v63  }
0x261: {  	_ = 	snop  }
0x262: {  	[tilespmem:s13], [sflag:$0x2] =	stream.indirect_vreg.gather [hbm4b:s8+s29], $0x80, v4, vm0, $0xb8;
	[tilespmem:$0x13000] =	vst v63  }
0x263: {  	_ = 	snop  }
0x264: {  	[tilespmem:s21], [sflag:$0x2] =	stream.indirect_vreg.gather [hbm4b:s9+s29], $0x80, v4, vm0, $0xb8;
	[tilespmem:$0x13000] =	vst v63  }
0x265: {  	_ = 	snop  }
0x266: {  	[tilespmem:s4], [sflag:$0x2] =	stream.indirect_vreg.gather [hbm4b:s10+s29], $0x80, v4, vm0, $0xb8;
	[tilespmem:$0x13000] =	vst v63  }
0x267: {  	v3 =	vperm.xlane v3, v2;
	s21 =	simm.s32 $0xD800  }
0x268: {  	[tilespmem:s21], [sflag:$0x2] =	stream.indirect_vreg.gather [hbm4b:s11+s29], $0x80, v4, vm0, $0xb8;
	[tilespmem:$0x13000] =	vst v63  }
0x269: {  	v3 =	vadd.s32 v1, v3  }
0x26a: {  	[tilespmem:s22], [sflag:$0x2] =	stream.indirect_vreg.gather [hbm4b:s12+s29], $0x80, v4, vm0, $0xb8;
	[tilespmem:$0x13000] =	vst v63  }
0x26b: {  	_ = 	snop  }
0x26c: {  	[tilespmem:s30], [sflag:$0x2] =	stream.indirect_vreg.gather [hbm4b:s0+s29], $0x80, v4, vm0, $0xb8;
	[tilespmem:$0x13000] =	vst v63  }
0x26d: {  	_ = 	snop  }
0x26e: {  	[tilespmem:s14], [sflag:$0x2] =	stream.indirect_vreg.gather [hbm4b:s3+s29], $0x80, v3, vm0, $0xb8;
	[tilespmem:$0x13000] =	vst v63  }
0x26f: {  	_ = 	snop  }
0x270: {  	[tilespmem:s24], [sflag:$0x2] =	stream.indirect_vreg.gather [hbm4b:s7+s29], $0x80, v3, vm0, $0xb8;
	[tilespmem:$0x13000] =	vst v63  }
0x271: {  	s3 =	simm.s32 $0x10000  }
0x272: {  	[tilespmem:s3], [sflag:$0x2] =	stream.indirect_vreg.gather [hbm4b:s8+s29], $0x80, v3, vm0, $0xb8;
	[tilespmem:$0x13000] =	vst v63  }
0x273: {  	_ = 	snop  }
0x274: {  	[tilespmem:s25], [sflag:$0x2] =	stream.indirect_vreg.gather [hbm4b:s9+s29], $0x80, v3, vm0, $0xb8;
	[tilespmem:$0x13000] =	vst v63  }
0x275: {  	_ = 	snop  }
0x276: {  	[tilespmem:s26], [sflag:$0x2] =	stream.indirect_vreg.gather [hbm4b:s10+s29], $0x80, v3, vm0, $0xb8;
	[tilespmem:$0x13000] =	vst v63  }
0x277: {  	_ = 	snop  }
0x278: {  	[tilespmem:s28], [sflag:$0x2] =	stream.indirect_vreg.gather [hbm4b:s11+s29], $0x80, v3, vm0, $0xb8;
	[tilespmem:$0x13000] =	vst v63  }
0x279: {  	s4 =	simm.s32 $0x12000  }
0x27a: {  	[tilespmem:s4], [sflag:$0x2] =	stream.indirect_vreg.gather [hbm4b:s12+s29], $0x80, v3, vm0, $0xb8;
	[tilespmem:$0x13000] =	vst v63  }
0x27b: {  	s1 =	simm.s32 $0x12800  }
0x27c: {  	[tilespmem:s1], [sflag:$0x2] =	stream.indirect_vreg.gather [hbm4b:s0+s29], $0x80, v3, vm0, $0xb8;
	[tilespmem:$0x13000] =	vst v63  }
0x27d: {  	v3 =	vld [tilespmem:s2+$0x1000];
	_ =	sdelay $0x4  }
0x27e: {  	v54 =	vshll.u32 v3, $0x4  }
0x27f: {  	v3 =	vand.u32 $0x7, v3;
	v4 =	vand.u32 $0xFFFFFF80, v54  }
0x280: {  	v3 =	vor.u32 v3, v4  }
0x281: {  	v4 =	vperm.xlane v3, v0;
	_ =	sdelay $0x1  }
0x282: {  	v4 =	vadd.s32 v1, v4;
	_ =	sdelay $0x3  }
0x283: {  	s10 =	rddreg [dreg:$0x3];
	s4 =	simm.s32 $0x3000  }
0x284: {  	[hbm4b:s10+s29] =	stream.indirect_vreg.scatter [tilespmem:s4], [sflag:$0x3], $0x80, v4, vm0, $0xb8;
	[tilespmem:$0x13000] =	vst v63  }
0x285: {  	s25 =	simm.s32 $0x3800  }
0x286: {  	[hbm4b:s15+s29] =	stream.indirect_vreg.scatter [tilespmem:s25], [sflag:$0x3], $0x80, v4, vm0, $0xb8;
	[tilespmem:$0x13000] =	vst v63  }
0x287: {  	s0 =	simm.s32 $0x4000  }
0x288: {  	[hbm4b:s16+s29] =	stream.indirect_vreg.scatter [tilespmem:s0], [sflag:$0x3], $0x80, v4, vm0, $0xb8;
	[tilespmem:$0x13000] =	vst v63  }
0x289: {  	s21 =	simm.s32 $0x4800  }
0x28a: {  	[hbm4b:s17+s29] =	stream.indirect_vreg.scatter [tilespmem:s21], [sflag:$0x3], $0x80, v4, vm0, $0xb8;
	[tilespmem:$0x13000] =	vst v63  }
0x28b: {  	s13 =	simm.s32 $0x5000  }
0x28c: {  	[hbm4b:s18+s29] =	stream.indirect_vreg.scatter [tilespmem:s13], [sflag:$0x3], $0x80, v4, vm0, $0xb8;
	[tilespmem:$0x13000] =	vst v63  }
0x28d: {  	s12 =	simm.s32 $0x5800;
	v3 =	vperm.xlane v3, v2  }
0x28e: {  	[hbm4b:s19+s29] =	stream.indirect_vreg.scatter [tilespmem:s12], [sflag:$0x3], $0x80, v4, vm0, $0xb8;
	[tilespmem:$0x13000] =	vst v63  }
0x28f: {  	s22 =	simm.s32 $0x6000;
	v3 =	vadd.s32 v1, v3  }
0x290: {  	[hbm4b:s20+s29] =	stream.indirect_vreg.scatter [tilespmem:s22], [sflag:$0x3], $0x80, v4, vm0, $0xb8;
	[tilespmem:$0x13000] =	vst v63  }
0x291: {  	s26 =	simm.s32 $0x6800  }
0x292: {  	[hbm4b:s23+s29] =	stream.indirect_vreg.scatter [tilespmem:s26], [sflag:$0x3], $0x80, v4, vm0, $0xb8;
	[tilespmem:$0x13000] =	vst v63  }
0x293: {  	s24 =	simm.s32 $0x7000  }
0x294: {  	[hbm4b:s10+s29] =	stream.indirect_vreg.scatter [tilespmem:s24], [sflag:$0x3], $0x80, v3, vm0, $0xb8;
	[tilespmem:$0x13000] =	vst v63  }
0x295: {  	s7 =	simm.s32 $0x7800  }
0x296: {  	[hbm4b:s15+s29] =	stream.indirect_vreg.scatter [tilespmem:s7], [sflag:$0x3], $0x80, v3, vm0, $0xb8;
	[tilespmem:$0x13000] =	vst v63  }
0x297: {  	s8 =	simm.s32 $0x8000  }
0x298: {  	[hbm4b:s16+s29] =	stream.indirect_vreg.scatter [tilespmem:s8], [sflag:$0x3], $0x80, v3, vm0, $0xb8;
	[tilespmem:$0x13000] =	vst v63  }
0x299: {  	s8 =	simm.s32 $0x8800  }
0x29a: {  	[hbm4b:s17+s29] =	stream.indirect_vreg.scatter [tilespmem:s8], [sflag:$0x3], $0x80, v3, vm0, $0xb8;
	[tilespmem:$0x13000] =	vst v63  }
0x29b: {  	s14 =	simm.s32 $0x9000  }
0x29c: {  	[hbm4b:s18+s29] =	stream.indirect_vreg.scatter [tilespmem:s14], [sflag:$0x3], $0x80, v3, vm0, $0xb8;
	[tilespmem:$0x13000] =	vst v63  }
0x29d: {  	s28 =	simm.s32 $0x9800  }
0x29e: {  	[hbm4b:s19+s29] =	stream.indirect_vreg.scatter [tilespmem:s28], [sflag:$0x3], $0x80, v3, vm0, $0xb8;
	[tilespmem:$0x13000] =	vst v63  }
0x29f: {  	s9 =	simm.s32 $0xA000  }
0x2a0: {  	[hbm4b:s20+s29] =	stream.indirect_vreg.scatter [tilespmem:s9], [sflag:$0x3], $0x80, v3, vm0, $0xb8;
	[tilespmem:$0x13000] =	vst v63  }
0x2a1: {  	s30 =	simm.s32 $0xA800  }
0x2a2: {  	[hbm4b:s23+s29] =	stream.indirect_vreg.scatter [tilespmem:s30], [sflag:$0x3], $0x80, v3, vm0, $0xb8;
	[tilespmem:$0x13000] =	vst v63  }
0x2a3: {  	_ =	swait.ge [sflag:s31], $0x8000  }
0x2a4: {  	[sflag:s31] =	ssyncset.done $0x0  }
0x2a5: {  	s11 =	simm.s32 $0x2;
	[sflag:s31] =	ssyncadd.s32 $0xFFFF8000  }
0x2a6: {  	_ =	swait.ge [sflag:s11], $0x8000  }
0x2a7: {  	[sflag:s11] =	ssyncset.done $0x0  }
0x2a8: {  	[sflag:s11] =	ssyncadd.s32 $0xFFFF8000  }
0x2a9: {  	v3 =	vld [tilespmem:s5+$0x1000];
	_ =	sdelay $0x4  }
0x2aa: {  	v55 =	vshll.u32 v3, $0x4  }
0x2ab: {  	v3 =	vand.u32 $0x7, v3;
	v4 =	vand.u32 $0xFFFFFF80, v55  }
0x2ac: {  	v3 =	vor.u32 v3, v4  }
0x2ad: {  	v4 =	vperm.xlane v3, v0;
	_ =	sdelay $0x1  }
0x2ae: {  	v4 =	vadd.s32 v1, v4;
	_ =	sdelay $0x3  }
0x2af: {  	s9 =	simm.s32 $0xB000  }
0x2b0: {  	[hbm4b:s10+s29] =	stream.indirect_vreg.scatter [tilespmem:s9], [sflag:$0x3], $0x80, v4, vm0, $0xb8;
	[tilespmem:$0x13000] =	vst v63  }
0x2b1: {  	s6 =	simm.s32 $0xB800  }
0x2b2: {  	[hbm4b:s15+s29] =	stream.indirect_vreg.scatter [tilespmem:s6], [sflag:$0x3], $0x80, v4, vm0, $0xb8;
	[tilespmem:$0x13000] =	vst v63  }
0x2b3: {  	s6 =	simm.s32 $0xC000  }
0x2b4: {  	[hbm4b:s16+s29] =	stream.indirect_vreg.scatter [tilespmem:s6], [sflag:$0x3], $0x80, v4, vm0, $0xb8;
	[tilespmem:$0x13000] =	vst v63  }
0x2b5: {  	s7 =	simm.s32 $0xC800  }
0x2b6: {  	[hbm4b:s17+s29] =	stream.indirect_vreg.scatter [tilespmem:s7], [sflag:$0x3], $0x80, v4, vm0, $0xb8;
	[tilespmem:$0x13000] =	vst v63  }
0x2b7: {  	s6 =	simm.s32 $0xD000  }
0x2b8: {  	[hbm4b:s18+s29] =	stream.indirect_vreg.scatter [tilespmem:s6], [sflag:$0x3], $0x80, v4, vm0, $0xb8;
	[tilespmem:$0x13000] =	vst v63  }
0x2b9: {  	v3 =	vperm.xlane v3, v2;
	s7 =	simm.s32 $0xD800  }
0x2ba: {  	[hbm4b:s19+s29] =	stream.indirect_vreg.scatter [tilespmem:s7], [sflag:$0x3], $0x80, v4, vm0, $0xb8;
	[tilespmem:$0x13000] =	vst v63  }
0x2bb: {  	s11 =	simm.s32 $0xE000;
	v3 =	vadd.s32 v1, v3  }
0x2bc: {  	[hbm4b:s20+s29] =	stream.indirect_vreg.scatter [tilespmem:s11], [sflag:$0x3], $0x80, v4, vm0, $0xb8;
	[tilespmem:$0x13000] =	vst v63  }
0x2bd: {  	s5 =	simm.s32 $0xE800  }
0x2be: {  	[hbm4b:s23+s29] =	stream.indirect_vreg.scatter [tilespmem:s5], [sflag:$0x3], $0x80, v4, vm0, $0xb8;
	[tilespmem:$0x13000] =	vst v63  }
0x2bf: {  	s11 =	simm.s32 $0xF000  }
0x2c0: {  	[hbm4b:s10+s29] =	stream.indirect_vreg.scatter [tilespmem:s11], [sflag:$0x3], $0x80, v3, vm0, $0xb8;
	[tilespmem:$0x13000] =	vst v63  }
0x2c1: {  	s5 =	simm.s32 $0xF800  }
0x2c2: {  	[hbm4b:s15+s29] =	stream.indirect_vreg.scatter [tilespmem:s5], [sflag:$0x3], $0x80, v3, vm0, $0xb8;
	[tilespmem:$0x13000] =	vst v63  }
0x2c3: {  	_ = 	snop  }
0x2c4: {  	[hbm4b:s16+s29] =	stream.indirect_vreg.scatter [tilespmem:s3], [sflag:$0x3], $0x80, v3, vm0, $0xb8;
	[tilespmem:$0x13000] =	vst v63  }
0x2c5: {  	s10 =	simm.s32 $0x10800  }
0x2c6: {  	[hbm4b:s17+s29] =	stream.indirect_vreg.scatter [tilespmem:s10], [sflag:$0x3], $0x80, v3, vm0, $0xb8;
	[tilespmem:$0x13000] =	vst v63  }
0x2c7: {  	s11 =	simm.s32 $0x11000  }
0x2c8: {  	[hbm4b:s18+s29] =	stream.indirect_vreg.scatter [tilespmem:s11], [sflag:$0x3], $0x80, v3, vm0, $0xb8;
	[tilespmem:$0x13000] =	vst v63  }
0x2c9: {  	s11 =	simm.s32 $0x11800  }
0x2ca: {  	[hbm4b:s19+s29] =	stream.indirect_vreg.scatter [tilespmem:s11], [sflag:$0x3], $0x80, v3, vm0, $0xb8;
	[tilespmem:$0x13000] =	vst v63  }
0x2cb: {  	s10 =	simm.s32 $0x12000  }
0x2cc: {  	[hbm4b:s20+s29] =	stream.indirect_vreg.scatter [tilespmem:s10], [sflag:$0x3], $0x80, v3, vm0, $0xb8;
	[tilespmem:$0x13000] =	vst v63  }
0x2cd: {  	_ = 	snop  }
0x2ce: {  	[hbm4b:s23+s29] =	stream.indirect_vreg.scatter [tilespmem:s1], [sflag:$0x3], $0x80, v3, vm0, $0xb8;
	[tilespmem:$0x13000] =	vst v63  }
0x2cf: {  	_ =	swait.ge [sflag:s31], $0x8000  }
0x2d0: {  	[sflag:s31] =	ssyncset.done $0x0  }
0x2d1: {  	s5 =	rddreg [dreg:$0x11];
	[sflag:s31] =	ssyncadd.s32 $0xFFFF8000  }
0x2d2: {  	v3 =	vld [tilespmem:s5+$0x2000];
	_ =	sdelay $0x4  }
0x2d3: {  	v56 =	vshll.u32 v3, $0x4  }
0x2d4: {  	v3 =	vand.u32 $0x7, v3;
	v4 =	vand.u32 $0xFFFFFF80, v56  }
0x2d5: {  	v3 =	vor.u32 v3, v4  }
0x2d6: {  	v4 =	vperm.xlane v3, v0;
	_ =	sdelay $0x1  }
0x2d7: {  	v4 =	vadd.s32 v1, v4;
	_ =	sdelay $0x3  }
0x2d8: {  	s3 =	rddreg [dreg:$0x1]  }
0x2d9: {  	[tilespmem:s4], [sflag:$0x1] =	stream.indirect_vreg.gather [hbm4b:s3+s29], $0x80, v4, vm0, $0xb8;
	[tilespmem:$0x13000] =	vst v63  }
0x2da: {  	s1 =	rddreg [dreg:$0x19]  }
0x2db: {  	[tilespmem:s25], [sflag:$0x1] =	stream.indirect_vreg.gather [hbm4b:s1+s29], $0x80, v4, vm0, $0xb8;
	[tilespmem:$0x13000] =	vst v63  }
0x2dc: {  	s25 =	rddreg [dreg:$0x1a]  }
0x2dd: {  	[tilespmem:s0], [sflag:$0x1] =	stream.indirect_vreg.gather [hbm4b:s25+s29], $0x80, v4, vm0, $0xb8;
	[tilespmem:$0x13000] =	vst v63  }
0x2de: {  	s0 =	rddreg [dreg:$0x1b]  }
0x2df: {  	[tilespmem:s21], [sflag:$0x1] =	stream.indirect_vreg.gather [hbm4b:s0+s29], $0x80, v4, vm0, $0xb8;
	[tilespmem:$0x13000] =	vst v63  }
0x2e0: {  	s4 =	rddreg [dreg:$0x1c]  }
0x2e1: {  	[tilespmem:s13], [sflag:$0x1] =	stream.indirect_vreg.gather [hbm4b:s4+s29], $0x80, v4, vm0, $0xb8;
	[tilespmem:$0x13000] =	vst v63  }
0x2e2: {  	v3 =	vperm.xlane v3, v2;
	s13 =	rddreg [dreg:$0x1d]  }
0x2e3: {  	[tilespmem:s12], [sflag:$0x1] =	stream.indirect_vreg.gather [hbm4b:s13+s29], $0x80, v4, vm0, $0xb8;
	[tilespmem:$0x13000] =	vst v63  }
0x2e4: {  	v3 =	vadd.s32 v1, v3;
	s21 =	rddreg [dreg:$0x1e]  }
0x2e5: {  	[tilespmem:s22], [sflag:$0x1] =	stream.indirect_vreg.gather [hbm4b:s21+s29], $0x80, v4, vm0, $0xb8;
	[tilespmem:$0x13000] =	vst v63  }
0x2e6: {  	s22 =	rddreg [dreg:$0x1f]  }
0x2e7: {  	[tilespmem:s26], [sflag:$0x1] =	stream.indirect_vreg.gather [hbm4b:s22+s29], $0x80, v4, vm0, $0xb8;
	[tilespmem:$0x13000] =	vst v63  }
0x2e8: {  	_ = 	snop  }
0x2e9: {  	[tilespmem:s24], [sflag:$0x1] =	stream.indirect_vreg.gather [hbm4b:s3+s29], $0x80, v3, vm0, $0xb8;
	[tilespmem:$0x13000] =	vst v63  }
0x2ea: {  	s24 =	simm.s32 $0x7800  }
0x2eb: {  	[tilespmem:s24], [sflag:$0x1] =	stream.indirect_vreg.gather [hbm4b:s1+s29], $0x80, v3, vm0, $0xb8;
	[tilespmem:$0x13000] =	vst v63  }
0x2ec: {  	s26 =	simm.s32 $0x8000  }
0x2ed: {  	[tilespmem:s26], [sflag:$0x1] =	stream.indirect_vreg.gather [hbm4b:s25+s29], $0x80, v3, vm0, $0xb8;
	[tilespmem:$0x13000] =	vst v63  }
0x2ee: {  	_ = 	snop  }
0x2ef: {  	[tilespmem:s8], [sflag:$0x1] =	stream.indirect_vreg.gather [hbm4b:s0+s29], $0x80, v3, vm0, $0xb8;
	[tilespmem:$0x13000] =	vst v63  }
0x2f0: {  	_ = 	snop  }
0x2f1: {  	[tilespmem:s14], [sflag:$0x1] =	stream.indirect_vreg.gather [hbm4b:s4+s29], $0x80, v3, vm0, $0xb8;
	[tilespmem:$0x13000] =	vst v63  }
0x2f2: {  	_ = 	snop  }
0x2f3: {  	[tilespmem:s28], [sflag:$0x1] =	stream.indirect_vreg.gather [hbm4b:s13+s29], $0x80, v3, vm0, $0xb8;
	[tilespmem:$0x13000] =	vst v63  }
0x2f4: {  	s2 =	simm.s32 $0xA000  }
0x2f5: {  	[tilespmem:s2], [sflag:$0x1] =	stream.indirect_vreg.gather [hbm4b:s21+s29], $0x80, v3, vm0, $0xb8;
	[tilespmem:$0x13000] =	vst v63  }
0x2f6: {  	s12 =	simm.s32 $0x1  }
0x2f7: {  	[tilespmem:s30], [sflag:$0x1] =	stream.indirect_vreg.gather [hbm4b:s22+s29], $0x80, v3, vm0, $0xb8;
	[tilespmem:$0x13000] =	vst v63  }
0x2f8: {  	_ =	swait.ge [sflag:s12], $0x8000  }
0x2f9: {  	[sflag:s12] =	ssyncset.done $0x0  }
0x2fa: {  	s26 =	rddreg [dreg:$0x15];
	[sflag:s12] =	ssyncadd.s32 $0xFFFF8000  }
0x2fb: {  	v3 =	vld [tilespmem:s26+$0x2000];
	_ =	sdelay $0x4  }
0x2fc: {  	v57 =	vshll.u32 v3, $0x4  }
0x2fd: {  	v3 =	vand.u32 $0x7, v3;
	v4 =	vand.u32 $0xFFFFFF80, v57  }
0x2fe: {  	v3 =	vor.u32 v3, v4  }
0x2ff: {  	v4 =	vperm.xlane v3, v0;
	_ =	sdelay $0x1  }
0x300: {  	v4 =	vadd.s32 v1, v4;
	_ =	sdelay $0x4  }
0x301: {  	[tilespmem:s9], [sflag:$0x2] =	stream.indirect_vreg.gather [hbm4b:s3+s29], $0x80, v4, vm0, $0xb8;
	[tilespmem:$0x13000] =	vst v63  }
0x302: {  	s14 =	simm.s32 $0xB800  }
0x303: {  	[tilespmem:s14], [sflag:$0x2] =	stream.indirect_vreg.gather [hbm4b:s1+s29], $0x80, v4, vm0, $0xb8;
	[tilespmem:$0x13000] =	vst v63  }
0x304: {  	s24 =	simm.s32 $0xC000  }
0x305: {  	[tilespmem:s24], [sflag:$0x2] =	stream.indirect_vreg.gather [hbm4b:s25+s29], $0x80, v4, vm0, $0xb8;
	[tilespmem:$0x13000] =	vst v63  }
0x306: {  	s28 =	simm.s32 $0xC800  }
0x307: {  	[tilespmem:s28], [sflag:$0x2] =	stream.indirect_vreg.gather [hbm4b:s0+s29], $0x80, v4, vm0, $0xb8;
	[tilespmem:$0x13000] =	vst v63  }
0x308: {  	_ = 	snop  }
0x309: {  	[tilespmem:s6], [sflag:$0x2] =	stream.indirect_vreg.gather [hbm4b:s4+s29], $0x80, v4, vm0, $0xb8;
	[tilespmem:$0x13000] =	vst v63  }
0x30a: {  	v3 =	vperm.xlane v3, v2  }
0x30b: {  	[tilespmem:s7], [sflag:$0x2] =	stream.indirect_vreg.gather [hbm4b:s13+s29], $0x80, v4, vm0, $0xb8;
	[tilespmem:$0x13000] =	vst v63  }
0x30c: {  	s30 =	simm.s32 $0xE000;
	v3 =	vadd.s32 v1, v3  }
0x30d: {  	[tilespmem:s30], [sflag:$0x2] =	stream.indirect_vreg.gather [hbm4b:s21+s29], $0x80, v4, vm0, $0xb8;
	[tilespmem:$0x13000] =	vst v63  }
0x30e: {  	s7 =	simm.s32 $0xE800  }
0x30f: {  	[tilespmem:s7], [sflag:$0x2] =	stream.indirect_vreg.gather [hbm4b:s22+s29], $0x80, v4, vm0, $0xb8;
	[tilespmem:$0x13000] =	vst v63  }
0x310: {  	s8 =	simm.s32 $0xF000  }
0x311: {  	[tilespmem:s8], [sflag:$0x2] =	stream.indirect_vreg.gather [hbm4b:s3+s29], $0x80, v3, vm0, $0xb8;
	[tilespmem:$0x13000] =	vst v63  }
0x312: {  	s9 =	simm.s32 $0xF800  }
0x313: {  	[tilespmem:s9], [sflag:$0x2] =	stream.indirect_vreg.gather [hbm4b:s1+s29], $0x80, v3, vm0, $0xb8;
	[tilespmem:$0x13000] =	vst v63  }
0x314: {  	s12 =	simm.s32 $0x10000  }
0x315: {  	[tilespmem:s12], [sflag:$0x2] =	stream.indirect_vreg.gather [hbm4b:s25+s29], $0x80, v3, vm0, $0xb8;
	[tilespmem:$0x13000] =	vst v63  }
0x316: {  	s14 =	simm.s32 $0x10800  }
0x317: {  	[tilespmem:s14], [sflag:$0x2] =	stream.indirect_vreg.gather [hbm4b:s0+s29], $0x80, v3, vm0, $0xb8;
	[tilespmem:$0x13000] =	vst v63  }
0x318: {  	s24 =	simm.s32 $0x11000  }
0x319: {  	[tilespmem:s24], [sflag:$0x2] =	stream.indirect_vreg.gather [hbm4b:s4+s29], $0x80, v3, vm0, $0xb8;
	[tilespmem:$0x13000] =	vst v63  }
0x31a: {  	_ = 	snop  }
0x31b: {  	[tilespmem:s11], [sflag:$0x2] =	stream.indirect_vreg.gather [hbm4b:s13+s29], $0x80, v3, vm0, $0xb8;
	[tilespmem:$0x13000] =	vst v63  }
0x31c: {  	_ = 	snop  }
0x31d: {  	[tilespmem:s10], [sflag:$0x2] =	stream.indirect_vreg.gather [hbm4b:s21+s29], $0x80, v3, vm0, $0xb8;
	[tilespmem:$0x13000] =	vst v63  }
0x31e: {  	s28 =	simm.s32 $0x12800  }
0x31f: {  	[tilespmem:s28], [sflag:$0x2] =	stream.indirect_vreg.gather [hbm4b:s22+s29], $0x80, v3, vm0, $0xb8;
	[tilespmem:$0x13000] =	vst v63  }
0x320: {  	v3 =	vld [tilespmem:s5+$0x2800];
	_ =	sdelay $0x4  }
0x321: {  	v58 =	vshll.u32 v3, $0x4  }
0x322: {  	v3 =	vand.u32 $0x7, v3;
	v4 =	vand.u32 $0xFFFFFF80, v58  }
0x323: {  	v3 =	vor.u32 v3, v4  }
0x324: {  	v4 =	vperm.xlane v3, v0;
	_ =	sdelay $0x1  }
0x325: {  	v4 =	vadd.s32 v1, v4;
	_ =	sdelay $0x3  }
0x326: {  	s6 =	rddreg [dreg:$0x3];
	s8 =	simm.s32 $0x3000  }
0x327: {  	[hbm4b:s6+s29] =	stream.indirect_vreg.scatter [tilespmem:s8], [sflag:$0x3], $0x80, v4, vm0, $0xb8;
	[tilespmem:$0x13000] =	vst v63  }
0x328: {  	s11 =	simm.s32 $0x3800  }
0x329: {  	[hbm4b:s15+s29] =	stream.indirect_vreg.scatter [tilespmem:s11], [sflag:$0x3], $0x80, v4, vm0, $0xb8;
	[tilespmem:$0x13000] =	vst v63  }
0x32a: {  	s7 =	simm.s32 $0x4000  }
0x32b: {  	[hbm4b:s16+s29] =	stream.indirect_vreg.scatter [tilespmem:s7], [sflag:$0x3], $0x80, v4, vm0, $0xb8;
	[tilespmem:$0x13000] =	vst v63  }
0x32c: {  	s10 =	simm.s32 $0x4800  }
0x32d: {  	[hbm4b:s17+s29] =	stream.indirect_vreg.scatter [tilespmem:s10], [sflag:$0x3], $0x80, v4, vm0, $0xb8;
	[tilespmem:$0x13000] =	vst v63  }
0x32e: {  	s28 =	simm.s32 $0x5000  }
0x32f: {  	[hbm4b:s18+s29] =	stream.indirect_vreg.scatter [tilespmem:s28], [sflag:$0x3], $0x80, v4, vm0, $0xb8;
	[tilespmem:$0x13000] =	vst v63  }
0x330: {  	s12 =	simm.s32 $0x5800;
	v3 =	vperm.xlane v3, v2  }
0x331: {  	[hbm4b:s19+s29] =	stream.indirect_vreg.scatter [tilespmem:s12], [sflag:$0x3], $0x80, v4, vm0, $0xb8;
	[tilespmem:$0x13000] =	vst v63  }
0x332: {  	s9 =	simm.s32 $0x6000;
	v3 =	vadd.s32 v1, v3  }
0x333: {  	[hbm4b:s20+s29] =	stream.indirect_vreg.scatter [tilespmem:s9], [sflag:$0x3], $0x80, v4, vm0, $0xb8;
	[tilespmem:$0x13000] =	vst v63  }
0x334: {  	s14 =	simm.s32 $0x6800  }
0x335: {  	[hbm4b:s23+s29] =	stream.indirect_vreg.scatter [tilespmem:s14], [sflag:$0x3], $0x80, v4, vm0, $0xb8;
	[tilespmem:$0x13000] =	vst v63  }
0x336: {  	s24 =	simm.s32 $0x7000  }
0x337: {  	[hbm4b:s6+s29] =	stream.indirect_vreg.scatter [tilespmem:s24], [sflag:$0x3], $0x80, v3, vm0, $0xb8;
	[tilespmem:$0x13000] =	vst v63  }
0x338: {  	s30 =	smov.u32 s3;
	s3 =	simm.s32 $0x7800  }
0x339: {  	[hbm4b:s15+s29] =	stream.indirect_vreg.scatter [tilespmem:s3], [sflag:$0x3], $0x80, v3, vm0, $0xb8;
	[tilespmem:$0x13000] =	vst v63  }
0x33a: {  	s6 =	simm.s32 $0x8000  }
0x33b: {  	[hbm4b:s16+s29] =	stream.indirect_vreg.scatter [tilespmem:s6], [sflag:$0x3], $0x80, v3, vm0, $0xb8;
	[tilespmem:$0x13000] =	vst v63  }
0x33c: {  	s12 =	simm.s32 $0x8800  }
0x33d: {  	[hbm4b:s17+s29] =	stream.indirect_vreg.scatter [tilespmem:s12], [sflag:$0x3], $0x80, v3, vm0, $0xb8;
	[tilespmem:$0x13000] =	vst v63  }
0x33e: {  	s14 =	simm.s32 $0x9000  }
0x33f: {  	[hbm4b:s18+s29] =	stream.indirect_vreg.scatter [tilespmem:s14], [sflag:$0x3], $0x80, v3, vm0, $0xb8;
	[tilespmem:$0x13000] =	vst v63  }
0x340: {  	s24 =	simm.s32 $0x9800  }
0x341: {  	[hbm4b:s19+s29] =	stream.indirect_vreg.scatter [tilespmem:s24], [sflag:$0x3], $0x80, v3, vm0, $0xb8;
	[tilespmem:$0x13000] =	vst v63  }
0x342: {  	_ = 	snop  }
0x343: {  	[hbm4b:s20+s29] =	stream.indirect_vreg.scatter [tilespmem:s2], [sflag:$0x3], $0x80, v3, vm0, $0xb8;
	[tilespmem:$0x13000] =	vst v63  }
0x344: {  	s2 =	simm.s32 $0xA800  }
0x345: {  	[hbm4b:s23+s29] =	stream.indirect_vreg.scatter [tilespmem:s2], [sflag:$0x3], $0x80, v3, vm0, $0xb8;
	[tilespmem:$0x13000] =	vst v63  }
0x346: {  	_ =	swait.ge [sflag:s31], $0x8000  }
0x347: {  	[sflag:s31] =	ssyncset.done $0x0  }
0x348: {  	[sflag:s31] =	ssyncadd.s32 $0xFFFF8000;
	s31 =	simm.s32 $0x2  }
0x349: {  	_ =	swait.ge [sflag:s31], $0x8000  }
0x34a: {  	[sflag:s31] =	ssyncset.done $0x0  }
0x34b: {  	s5 =	rddreg [dreg:$0x16];
	[sflag:s31] =	ssyncadd.s32 $0xFFFF8000  }
0x34c: {  	v3 =	vld [tilespmem:s5+$0x2000];
	_ =	sdelay $0x4  }
0x34d: {  	v59 =	vshll.u32 v3, $0x4  }
0x34e: {  	v3 =	vand.u32 $0x7, v3;
	v4 =	vand.u32 $0xFFFFFF80, v59  }
0x34f: {  	v3 =	vor.u32 v3, v4  }
0x350: {  	v4 =	vperm.xlane v3, v0;
	_ =	sdelay $0x1  }
0x351: {  	v4 =	vadd.s32 v1, v4;
	_ =	sdelay $0x4  }
0x352: {  	[tilespmem:s8], [sflag:$0x1] =	stream.indirect_vreg.gather [hbm4b:s30+s29], $0x80, v4, vm0, $0xb8;
	[tilespmem:$0x13000] =	vst v63  }
0x353: {  	_ = 	snop  }
0x354: {  	[tilespmem:s11], [sflag:$0x1] =	stream.indirect_vreg.gather [hbm4b:s1+s29], $0x80, v4, vm0, $0xb8;
	[tilespmem:$0x13000] =	vst v63  }
0x355: {  	_ = 	snop  }
0x356: {  	[tilespmem:s7], [sflag:$0x1] =	stream.indirect_vreg.gather [hbm4b:s25+s29], $0x80, v4, vm0, $0xb8;
	[tilespmem:$0x13000] =	vst v63  }
0x357: {  	_ = 	snop  }
0x358: {  	[tilespmem:s10], [sflag:$0x1] =	stream.indirect_vreg.gather [hbm4b:s0+s29], $0x80, v4, vm0, $0xb8;
	[tilespmem:$0x13000] =	vst v63  }
0x359: {  	_ = 	snop  }
0x35a: {  	[tilespmem:s28], [sflag:$0x1] =	stream.indirect_vreg.gather [hbm4b:s4+s29], $0x80, v4, vm0, $0xb8;
	[tilespmem:$0x13000] =	vst v63  }
0x35b: {  	v3 =	vperm.xlane v3, v2;
	s8 =	simm.s32 $0x5800  }
0x35c: {  	[tilespmem:s8], [sflag:$0x1] =	stream.indirect_vreg.gather [hbm4b:s13+s29], $0x80, v4, vm0, $0xb8;
	[tilespmem:$0x13000] =	vst v63  }
0x35d: {  	v3 =	vadd.s32 v1, v3  }
0x35e: {  	[tilespmem:s9], [sflag:$0x1] =	stream.indirect_vreg.gather [hbm4b:s21+s29], $0x80, v4, vm0, $0xb8;
	[tilespmem:$0x13000] =	vst v63  }
0x35f: {  	s9 =	simm.s32 $0x6800  }
0x360: {  	[tilespmem:s9], [sflag:$0x1] =	stream.indirect_vreg.gather [hbm4b:s22+s29], $0x80, v4, vm0, $0xb8;
	[tilespmem:$0x13000] =	vst v63  }
0x361: {  	s10 =	simm.s32 $0x7000  }
0x362: {  	[tilespmem:s10], [sflag:$0x1] =	stream.indirect_vreg.gather [hbm4b:s30+s29], $0x80, v3, vm0, $0xb8;
	[tilespmem:$0x13000] =	vst v63  }
0x363: {  	_ = 	snop  }
0x364: {  	[tilespmem:s3], [sflag:$0x1] =	stream.indirect_vreg.gather [hbm4b:s1+s29], $0x80, v3, vm0, $0xb8;
	[tilespmem:$0x13000] =	vst v63  }
0x365: {  	_ = 	snop  }
0x366: {  	[tilespmem:s6], [sflag:$0x1] =	stream.indirect_vreg.gather [hbm4b:s25+s29], $0x80, v3, vm0, $0xb8;
	[tilespmem:$0x13000] =	vst v63  }
0x367: {  	_ = 	snop  }
0x368: {  	[tilespmem:s12], [sflag:$0x1] =	stream.indirect_vreg.gather [hbm4b:s0+s29], $0x80, v3, vm0, $0xb8;
	[tilespmem:$0x13000] =	vst v63  }
0x369: {  	_ = 	snop  }
0x36a: {  	[tilespmem:s14], [sflag:$0x1] =	stream.indirect_vreg.gather [hbm4b:s4+s29], $0x80, v3, vm0, $0xb8;
	[tilespmem:$0x13000] =	vst v63  }
0x36b: {  	_ = 	snop  }
0x36c: {  	[tilespmem:s24], [sflag:$0x1] =	stream.indirect_vreg.gather [hbm4b:s13+s29], $0x80, v3, vm0, $0xb8;
	[tilespmem:$0x13000] =	vst v63  }
0x36d: {  	s11 =	simm.s32 $0xA000  }
0x36e: {  	[tilespmem:s11], [sflag:$0x1] =	stream.indirect_vreg.gather [hbm4b:s21+s29], $0x80, v3, vm0, $0xb8;
	[tilespmem:$0x13000] =	vst v63  }
0x36f: {  	_ = 	snop  }
0x370: {  	[tilespmem:s2], [sflag:$0x1] =	stream.indirect_vreg.gather [hbm4b:s22+s29], $0x80, v3, vm0, $0xb8;
	[tilespmem:$0x13000] =	vst v63  }
0x371: {  	v3 =	vld [tilespmem:s26+$0x2800];
	_ =	sdelay $0x4  }
0x372: {  	v60 =	vshll.u32 v3, $0x4  }
0x373: {  	v3 =	vand.u32 $0x7, v3;
	v4 =	vand.u32 $0xFFFFFF80, v60  }
0x374: {  	v3 =	vor.u32 v3, v4  }
0x375: {  	v4 =	vperm.xlane v3, v0;
	_ =	sdelay $0x1  }
0x376: {  	v4 =	vadd.s32 v1, v4;
	_ =	sdelay $0x3  }
0x377: {  	s12 =	rddreg [dreg:$0x3];
	s14 =	simm.s32 $0xB000  }
0x378: {  	[hbm4b:s12+s29] =	stream.indirect_vreg.scatter [tilespmem:s14], [sflag:$0x3], $0x80, v4, vm0, $0xb8;
	[tilespmem:$0x13000] =	vst v63  }
0x379: {  	s2 =	simm.s32 $0xB800  }
0x37a: {  	[hbm4b:s15+s29] =	stream.indirect_vreg.scatter [tilespmem:s2], [sflag:$0x3], $0x80, v4, vm0, $0xb8;
	[tilespmem:$0x13000] =	vst v63  }
0x37b: {  	s24 =	simm.s32 $0xC000  }
0x37c: {  	[hbm4b:s16+s29] =	stream.indirect_vreg.scatter [tilespmem:s24], [sflag:$0x3], $0x80, v4, vm0, $0xb8;
	[tilespmem:$0x13000] =	vst v63  }
0x37d: {  	s6 =	simm.s32 $0xC800  }
0x37e: {  	[hbm4b:s17+s29] =	stream.indirect_vreg.scatter [tilespmem:s6], [sflag:$0x3], $0x80, v4, vm0, $0xb8;
	[tilespmem:$0x13000] =	vst v63  }
0x37f: {  	s26 =	simm.s32 $0xD000  }
0x380: {  	[hbm4b:s18+s29] =	stream.indirect_vreg.scatter [tilespmem:s26], [sflag:$0x3], $0x80, v4, vm0, $0xb8;
	[tilespmem:$0x13000] =	vst v63  }
0x381: {  	s28 =	simm.s32 $0xD800;
	v3 =	vperm.xlane v3, v2  }
0x382: {  	[hbm4b:s19+s29] =	stream.indirect_vreg.scatter [tilespmem:s28], [sflag:$0x3], $0x80, v4, vm0, $0xb8;
	[tilespmem:$0x13000] =	vst v63  }
0x383: {  	s7 =	simm.s32 $0xE000;
	v3 =	vadd.s32 v1, v3  }
0x384: {  	[hbm4b:s20+s29] =	stream.indirect_vreg.scatter [tilespmem:s7], [sflag:$0x3], $0x80, v4, vm0, $0xb8;
	[tilespmem:$0x13000] =	vst v63  }
0x385: {  	s8 =	simm.s32 $0xE800  }
0x386: {  	[hbm4b:s23+s29] =	stream.indirect_vreg.scatter [tilespmem:s8], [sflag:$0x3], $0x80, v4, vm0, $0xb8;
	[tilespmem:$0x13000] =	vst v63  }
0x387: {  	s9 =	simm.s32 $0xF000  }
0x388: {  	[hbm4b:s12+s29] =	stream.indirect_vreg.scatter [tilespmem:s9], [sflag:$0x3], $0x80, v3, vm0, $0xb8;
	[tilespmem:$0x13000] =	vst v63  }
0x389: {  	s10 =	simm.s32 $0xF800  }
0x38a: {  	[hbm4b:s15+s29] =	stream.indirect_vreg.scatter [tilespmem:s10], [sflag:$0x3], $0x80, v3, vm0, $0xb8;
	[tilespmem:$0x13000] =	vst v63  }
0x38b: {  	s11 =	simm.s32 $0x10000  }
0x38c: {  	[hbm4b:s16+s29] =	stream.indirect_vreg.scatter [tilespmem:s11], [sflag:$0x3], $0x80, v3, vm0, $0xb8;
	[tilespmem:$0x13000] =	vst v63  }
0x38d: {  	s12 =	simm.s32 $0x10800  }
0x38e: {  	[hbm4b:s17+s29] =	stream.indirect_vreg.scatter [tilespmem:s12], [sflag:$0x3], $0x80, v3, vm0, $0xb8;
	[tilespmem:$0x13000] =	vst v63  }
0x38f: {  	s24 =	simm.s32 $0x11000  }
0x390: {  	[hbm4b:s18+s29] =	stream.indirect_vreg.scatter [tilespmem:s24], [sflag:$0x3], $0x80, v3, vm0, $0xb8;
	[tilespmem:$0x13000] =	vst v63  }
0x391: {  	s30 =	simm.s32 $0x11800  }
0x392: {  	[hbm4b:s19+s29] =	stream.indirect_vreg.scatter [tilespmem:s30], [sflag:$0x3], $0x80, v3, vm0, $0xb8;
	[tilespmem:$0x13000] =	vst v63  }
0x393: {  	s28 =	simm.s32 $0x12000  }
0x394: {  	[hbm4b:s20+s29] =	stream.indirect_vreg.scatter [tilespmem:s28], [sflag:$0x3], $0x80, v3, vm0, $0xb8;
	[tilespmem:$0x13000] =	vst v63  }
0x395: {  	s31 =	simm.s32 $0x3;
	s30 =	simm.s32 $0x12800  }
0x396: {  	[hbm4b:s23+s29] =	stream.indirect_vreg.scatter [tilespmem:s30], [sflag:$0x3], $0x80, v3, vm0, $0xb8;
	[tilespmem:$0x13000] =	vst v63  }
0x397: {  	_ =	swait.ge [sflag:s31], $0x8000  }
0x398: {  	[sflag:s31] =	ssyncset.done $0x0  }
0x399: {  	s3 =	simm.s32 $0x1;
	[sflag:s31] =	ssyncadd.s32 $0xFFFF8000  }
0x39a: {  	_ =	swait.ge [sflag:s3], $0x8000  }
0x39b: {  	[sflag:s3] =	ssyncset.done $0x0  }
0x39c: {  	s26 =	rddreg [dreg:$0x17];
	[sflag:s3] =	ssyncadd.s32 $0xFFFF8000  }
0x39d: {  	v3 =	vld [tilespmem:s26+$0x2000];
	_ =	sdelay $0x4  }
0x39e: {  	v61 =	vshll.u32 v3, $0x4  }
0x39f: {  	v3 =	vand.u32 $0x7, v3;
	v4 =	vand.u32 $0xFFFFFF80, v61  }
0x3a0: {  	v3 =	vor.u32 v3, v4  }
0x3a1: {  	v4 =	vperm.xlane v3, v0;
	_ =	sdelay $0x1  }
0x3a2: {  	v4 =	vadd.s32 v1, v4;
	_ =	sdelay $0x3  }
0x3a3: {  	s3 =	rddreg [dreg:$0x1]  }
0x3a4: {  	[tilespmem:s14], [sflag:$0x2] =	stream.indirect_vreg.gather [hbm4b:s3+s29], $0x80, v4, vm0, $0xb8;
	[tilespmem:$0x13000] =	vst v63  }
0x3a5: {  	_ = 	snop  }
0x3a6: {  	[tilespmem:s2], [sflag:$0x2] =	stream.indirect_vreg.gather [hbm4b:s1+s29], $0x80, v4, vm0, $0xb8;
	[tilespmem:$0x13000] =	vst v63  }
0x3a7: {  	s2 =	simm.s32 $0xC000  }
0x3a8: {  	[tilespmem:s2], [sflag:$0x2] =	stream.indirect_vreg.gather [hbm4b:s25+s29], $0x80, v4, vm0, $0xb8;
	[tilespmem:$0x13000] =	vst v63  }
0x3a9: {  	_ = 	snop  }
0x3aa: {  	[tilespmem:s6], [sflag:$0x2] =	stream.indirect_vreg.gather [hbm4b:s0+s29], $0x80, v4, vm0, $0xb8;
	[tilespmem:$0x13000] =	vst v63  }
0x3ab: {  	s2 =	simm.s32 $0xD000  }
0x3ac: {  	[tilespmem:s2], [sflag:$0x2] =	stream.indirect_vreg.gather [hbm4b:s4+s29], $0x80, v4, vm0, $0xb8;
	[tilespmem:$0x13000] =	vst v63  }
0x3ad: {  	v3 =	vperm.xlane v3, v2;
	s2 =	simm.s32 $0xD800  }
0x3ae: {  	[tilespmem:s2], [sflag:$0x2] =	stream.indirect_vreg.gather [hbm4b:s13+s29], $0x80, v4, vm0, $0xb8;
	[tilespmem:$0x13000] =	vst v63  }
0x3af: {  	v3 =	vadd.s32 v1, v3  }
0x3b0: {  	[tilespmem:s7], [sflag:$0x2] =	stream.indirect_vreg.gather [hbm4b:s21+s29], $0x80, v4, vm0, $0xb8;
	[tilespmem:$0x13000] =	vst v63  }
0x3b1: {  	_ = 	snop  }
0x3b2: {  	[tilespmem:s8], [sflag:$0x2] =	stream.indirect_vreg.gather [hbm4b:s22+s29], $0x80, v4, vm0, $0xb8;
	[tilespmem:$0x13000] =	vst v63  }
0x3b3: {  	_ = 	snop  }
0x3b4: {  	[tilespmem:s9], [sflag:$0x2] =	stream.indirect_vreg.gather [hbm4b:s3+s29], $0x80, v3, vm0, $0xb8;
	[tilespmem:$0x13000] =	vst v63  }
0x3b5: {  	_ = 	snop  }
0x3b6: {  	[tilespmem:s10], [sflag:$0x2] =	stream.indirect_vreg.gather [hbm4b:s1+s29], $0x80, v3, vm0, $0xb8;
	[tilespmem:$0x13000] =	vst v63  }
0x3b7: {  	_ = 	snop  }
0x3b8: {  	[tilespmem:s11], [sflag:$0x2] =	stream.indirect_vreg.gather [hbm4b:s25+s29], $0x80, v3, vm0, $0xb8;
	[tilespmem:$0x13000] =	vst v63  }
0x3b9: {  	_ = 	snop  }
0x3ba: {  	[tilespmem:s12], [sflag:$0x2] =	stream.indirect_vreg.gather [hbm4b:s0+s29], $0x80, v3, vm0, $0xb8;
	[tilespmem:$0x13000] =	vst v63  }
0x3bb: {  	_ = 	snop  }
0x3bc: {  	[tilespmem:s24], [sflag:$0x2] =	stream.indirect_vreg.gather [hbm4b:s4+s29], $0x80, v3, vm0, $0xb8;
	[tilespmem:$0x13000] =	vst v63  }
0x3bd: {  	s12 =	simm.s32 $0x11800  }
0x3be: {  	[tilespmem:s12], [sflag:$0x2] =	stream.indirect_vreg.gather [hbm4b:s13+s29], $0x80, v3, vm0, $0xb8;
	[tilespmem:$0x13000] =	vst v63  }
0x3bf: {  	_ = 	snop  }
0x3c0: {  	[tilespmem:s28], [sflag:$0x2] =	stream.indirect_vreg.gather [hbm4b:s21+s29], $0x80, v3, vm0, $0xb8;
	[tilespmem:$0x13000] =	vst v63  }
0x3c1: {  	_ = 	snop  }
0x3c2: {  	[tilespmem:s30], [sflag:$0x2] =	stream.indirect_vreg.gather [hbm4b:s22+s29], $0x80, v3, vm0, $0xb8;
	[tilespmem:$0x13000] =	vst v63  }
0x3c3: {  	v3 =	vld [tilespmem:s5+$0x2800];
	_ =	sdelay $0x4  }
0x3c4: {  	v62 =	vshll.u32 v3, $0x4  }
0x3c5: {  	v3 =	vand.u32 $0x7, v3;
	v4 =	vand.u32 $0xFFFFFF80, v62  }
0x3c6: {  	v3 =	vor.u32 v3, v4  }
0x3c7: {  	v4 =	vperm.xlane v3, v0;
	_ =	sdelay $0x1  }
0x3c8: {  	v4 =	vadd.s32 v1, v4;
	_ =	sdelay $0x3  }
0x3c9: {  	s22 =	simm.s32 $0x3000;
	s5 =	rddreg [dreg:$0x3]  }
0x3ca: {  	[hbm4b:s5+s29] =	stream.indirect_vreg.scatter [tilespmem:s22], [sflag:$0x3], $0x80, v4, vm0, $0xb8;
	[tilespmem:$0x13000] =	vst v63  }
0x3cb: {  	s24 =	simm.s32 $0x3800  }
0x3cc: {  	[hbm4b:s15+s29] =	stream.indirect_vreg.scatter [tilespmem:s24], [sflag:$0x3], $0x80, v4, vm0, $0xb8;
	[tilespmem:$0x13000] =	vst v63  }
0x3cd: {  	s28 =	simm.s32 $0x4000  }
0x3ce: {  	[hbm4b:s16+s29] =	stream.indirect_vreg.scatter [tilespmem:s28], [sflag:$0x3], $0x80, v4, vm0, $0xb8;
	[tilespmem:$0x13000] =	vst v63  }
0x3cf: {  	s30 =	simm.s32 $0x4800  }
0x3d0: {  	[hbm4b:s17+s29] =	stream.indirect_vreg.scatter [tilespmem:s30], [sflag:$0x3], $0x80, v4, vm0, $0xb8;
	[tilespmem:$0x13000] =	vst v63  }
0x3d1: {  	s3 =	simm.s32 $0x5000  }
0x3d2: {  	[hbm4b:s18+s29] =	stream.indirect_vreg.scatter [tilespmem:s3], [sflag:$0x3], $0x80, v4, vm0, $0xb8;
	[tilespmem:$0x13000] =	vst v63  }
0x3d3: {  	v3 =	vperm.xlane v3, v2;
	s22 =	simm.s32 $0x5800  }
0x3d4: {  	[hbm4b:s19+s29] =	stream.indirect_vreg.scatter [tilespmem:s22], [sflag:$0x3], $0x80, v4, vm0, $0xb8;
	[tilespmem:$0x13000] =	vst v63  }
0x3d5: {  	v3 =	vadd.s32 v1, v3;
	s24 =	simm.s32 $0x6000  }
0x3d6: {  	[hbm4b:s20+s29] =	stream.indirect_vreg.scatter [tilespmem:s24], [sflag:$0x3], $0x80, v4, vm0, $0xb8;
	[tilespmem:$0x13000] =	vst v63  }
0x3d7: {  	s28 =	simm.s32 $0x6800  }
0x3d8: {  	[hbm4b:s23+s29] =	stream.indirect_vreg.scatter [tilespmem:s28], [sflag:$0x3], $0x80, v4, vm0, $0xb8;
	[tilespmem:$0x13000] =	vst v63  }
0x3d9: {  	s30 =	simm.s32 $0x7000  }
0x3da: {  	[hbm4b:s5+s29] =	stream.indirect_vreg.scatter [tilespmem:s30], [sflag:$0x3], $0x80, v3, vm0, $0xb8;
	[tilespmem:$0x13000] =	vst v63  }
0x3db: {  	s3 =	simm.s32 $0x7800  }
0x3dc: {  	[hbm4b:s15+s29] =	stream.indirect_vreg.scatter [tilespmem:s3], [sflag:$0x3], $0x80, v3, vm0, $0xb8;
	[tilespmem:$0x13000] =	vst v63  }
0x3dd: {  	s22 =	simm.s32 $0x8000  }
0x3de: {  	[hbm4b:s16+s29] =	stream.indirect_vreg.scatter [tilespmem:s22], [sflag:$0x3], $0x80, v3, vm0, $0xb8;
	[tilespmem:$0x13000] =	vst v63  }
0x3df: {  	s24 =	simm.s32 $0x8800  }
0x3e0: {  	[hbm4b:s17+s29] =	stream.indirect_vreg.scatter [tilespmem:s24], [sflag:$0x3], $0x80, v3, vm0, $0xb8;
	[tilespmem:$0x13000] =	vst v63  }
0x3e1: {  	s28 =	simm.s32 $0x9000  }
0x3e2: {  	[hbm4b:s18+s29] =	stream.indirect_vreg.scatter [tilespmem:s28], [sflag:$0x3], $0x80, v3, vm0, $0xb8;
	[tilespmem:$0x13000] =	vst v63  }
0x3e3: {  	s30 =	simm.s32 $0x9800  }
0x3e4: {  	[hbm4b:s19+s29] =	stream.indirect_vreg.scatter [tilespmem:s30], [sflag:$0x3], $0x80, v3, vm0, $0xb8;
	[tilespmem:$0x13000] =	vst v63  }
0x3e5: {  	s3 =	simm.s32 $0xA000  }
0x3e6: {  	[hbm4b:s20+s29] =	stream.indirect_vreg.scatter [tilespmem:s3], [sflag:$0x3], $0x80, v3, vm0, $0xb8;
	[tilespmem:$0x13000] =	vst v63  }
0x3e7: {  	s31 =	simm.s32 $0x3;
	s22 =	simm.s32 $0xA800  }
0x3e8: {  	[hbm4b:s23+s29] =	stream.indirect_vreg.scatter [tilespmem:s22], [sflag:$0x3], $0x80, v3, vm0, $0xb8;
	[tilespmem:$0x13000] =	vst v63  }
0x3e9: {  	s25 =	rddreg [dreg:$0x18];
	_ =	swait.ge [sflag:s31], $0x8000  }
0x3ea: {  	[sflag:s31] =	ssyncset.done $0x0  }
0x3eb: {  	s24 =	simm.s32 $0x2;
	[sflag:s31] =	ssyncadd.s32 $0xFFFF8000  }
0x3ec: {  	_ =	swait.ge [sflag:s24], $0x8000  }
0x3ed: {  	[sflag:s24] =	ssyncset.done $0x0  }
0x3ee: {  	[sflag:s24] =	ssyncadd.s32 $0xFFFF8000  }
0x3ef: {  	v3 =	vld [tilespmem:s26+$0x2800];
	_ =	sdelay $0x4  }
0x3f0: {  	v63 =	vshll.u32 v3, $0x4  }
0x3f1: {  	v3 =	vand.u32 $0x7, v3;
	v4 =	vand.u32 $0xFFFFFF80, v63  }
0x3f2: {  	v3 =	vor.u32 v3, v4  }
0x3f3: {  	v4 =	vperm.xlane v3, v0;
	_ =	sdelay $0x1  }
0x3f4: {  	v4 =	vadd.s32 v1, v4;
	_ =	sdelay $0x3  }
0x3f5: {  	s14 =	simm.s32 $0xB000;
	s21 =	smov.u32 s5  }
0x3f6: {  	[hbm4b:s21+s29] =	stream.indirect_vreg.scatter [tilespmem:s14], [sflag:$0x3], $0x80, v4, vm0, $0xb8;
	[tilespmem:$0x13000] =	vst v63  }
0x3f7: {  	s26 =	simm.s32 $0xB800  }
0x3f8: {  	[hbm4b:s15+s29] =	stream.indirect_vreg.scatter [tilespmem:s26], [sflag:$0x3], $0x80, v4, vm0, $0xb8;
	[tilespmem:$0x13000] =	vst v63  }
0x3f9: {  	s28 =	simm.s32 $0xC000  }
0x3fa: {  	[hbm4b:s16+s29] =	stream.indirect_vreg.scatter [tilespmem:s28], [sflag:$0x3], $0x80, v4, vm0, $0xb8;
	[tilespmem:$0x13000] =	vst v63  }
0x3fb: {  	s6 =	simm.s32 $0xC800  }
0x3fc: {  	[hbm4b:s17+s29] =	stream.indirect_vreg.scatter [tilespmem:s6], [sflag:$0x3], $0x80, v4, vm0, $0xb8;
	[tilespmem:$0x13000] =	vst v63  }
0x3fd: {  	s30 =	simm.s32 $0xD000  }
0x3fe: {  	[hbm4b:s18+s29] =	stream.indirect_vreg.scatter [tilespmem:s30], [sflag:$0x3], $0x80, v4, vm0, $0xb8;
	[tilespmem:$0x13000] =	vst v63  }
0x3ff: {  	s2 =	simm.s32 $0xD800;
	v3 =	vperm.xlane v3, v2  }
0x400: {  	[hbm4b:s19+s29] =	stream.indirect_vreg.scatter [tilespmem:s2], [sflag:$0x3], $0x80, v4, vm0, $0xb8;
	[tilespmem:$0x13000] =	vst v63  }
0x401: {  	s7 =	simm.s32 $0xE000;
	v3 =	vadd.s32 v1, v3  }
0x402: {  	[hbm4b:s20+s29] =	stream.indirect_vreg.scatter [tilespmem:s7], [sflag:$0x3], $0x80, v4, vm0, $0xb8;
	[tilespmem:$0x13000] =	vst v63  }
0x403: {  	s8 =	simm.s32 $0xE800  }
0x404: {  	[hbm4b:s23+s29] =	stream.indirect_vreg.scatter [tilespmem:s8], [sflag:$0x3], $0x80, v4, vm0, $0xb8;
	[tilespmem:$0x13000] =	vst v63  }
0x405: {  	s9 =	simm.s32 $0xF000  }
0x406: {  	[hbm4b:s21+s29] =	stream.indirect_vreg.scatter [tilespmem:s9], [sflag:$0x3], $0x80, v3, vm0, $0xb8;
	[tilespmem:$0x13000] =	vst v63  }
0x407: {  	s1 =	simm.s32 $0xF800  }
0x408: {  	[hbm4b:s15+s29] =	stream.indirect_vreg.scatter [tilespmem:s1], [sflag:$0x3], $0x80, v3, vm0, $0xb8;
	[tilespmem:$0x13000] =	vst v63  }
0x409: {  	s10 =	simm.s32 $0x10000  }
0x40a: {  	[hbm4b:s16+s29] =	stream.indirect_vreg.scatter [tilespmem:s10], [sflag:$0x3], $0x80, v3, vm0, $0xb8;
	[tilespmem:$0x13000] =	vst v63  }
0x40b: {  	s0 =	simm.s32 $0x10800  }
0x40c: {  	[hbm4b:s17+s29] =	stream.indirect_vreg.scatter [tilespmem:s0], [sflag:$0x3], $0x80, v3, vm0, $0xb8;
	[tilespmem:$0x13000] =	vst v63  }
0x40d: {  	s4 =	simm.s32 $0x11000  }
0x40e: {  	[hbm4b:s18+s29] =	stream.indirect_vreg.scatter [tilespmem:s4], [sflag:$0x3], $0x80, v3, vm0, $0xb8;
	[tilespmem:$0x13000] =	vst v63  }
0x40f: {  	s13 =	simm.s32 $0x11800  }
0x410: {  	[hbm4b:s19+s29] =	stream.indirect_vreg.scatter [tilespmem:s13], [sflag:$0x3], $0x80, v3, vm0, $0xb8;
	[tilespmem:$0x13000] =	vst v63  }
0x411: {  	p0 =	sne.s32 s25, $0x1;
	s12 =	simm.s32 $0x12000  }
0x412: {  	[hbm4b:s20+s29] =	stream.indirect_vreg.scatter [tilespmem:s12], [sflag:$0x3], $0x80, v3, vm0, $0xb8;
	[tilespmem:$0x13000] =	vst v63  }
.Ltmp0:
0x413: {  	s11 =	simm.s32 $0x12800;
	(pc) =	sbr.rel @p0 .LBB2_1-.Ltmp0, $4  }
0x414: {  	[hbm4b:s23+s29] =	stream.indirect_vreg.scatter [tilespmem:s11], [sflag:$0x3], $0x80, v3, vm0, $0xb8;
	[tilespmem:$0x13000] =	vst v63  }
0x415: {  	_ =	swait.ge [sflag:s31], $0x8000  }
0x416: {  	[sflag:s31] =	ssyncset.done $0x0  }
0x417: {  	s25 =	sadd.s32 $0xFFFFFFFF, s25;
	[sflag:s31] =	ssyncadd.s32 $0xFFFF8000  }
0x418: {  	_ =	sfence.sel $0x180000  }
0x419: {  	[bflag:$0x0] =	sbarrier.arrive $0xFFFF  }
0x41a: {  	_ =	strace $0x90000047  }
0x41b: {  	s0 =	stileid.u32;
	[bflag:$0x2] =	sbarrier.arrive $0xFFFF  }
0x41c: {  	p0 =	sne.s32 s0, $0x0;
	s0 =	rddreg [dreg:$0x4]  }
0x41d: {  	s0 =	sadd.s32 @!p0 $0x100000, s0  }
0x41e: {  	[sflag:s0] =	ssyncadd.tile.s32 @!p0 $0x1;
	_ =	shalt  }
.Lfunc_end2:
_tile_overlayer_lowered:
.L_overlay_start_2:
0x41f: {  	(tag) =	ssettag $0x2  }
0x420: {  	s0 =	rddreg [dreg:$0x0];
	s2 =	stileid.u32  }
0x421: {  	s1 =	rddreg [dreg:$0x1];
	p0 =	sne.s32 s2, $0x0  }
0x422: {  	s3 =	rddreg [dreg:$0x2];
	[bflag:$0x3] =	sbarrier.arrive $0xFFFF;
	s2 =	simm.s32 @!p0 $0x1C03  }
0x423: {  	[timem:s3], [sflag:s2] =	dma.local @!p0 [hbm:s0], s1  }
0x424: {  	s0 =	simm.s32 @!p0 $0x3  }
0x425: {  	_ =	swait.ge @!p0 [sflag:s0], s1  }
0x426: {  	s1 =	ssub.s32 @!p0 $0x0, s1;
	[sflag:s0] =	ssyncset.done @!p0 $0x0  }
0x427: {  	[sflag:s0] =	ssyncadd.s32 @!p0 s1  }
0x428: {  	[bflag:$0x3] =	sbarrier.arrive $0xFFFF  }
0x429: {  	_ =	shalt  }

</sc_bundles>
